<compile_context>
chip_gen: v7x
topology: tpu7x:2x2x1
jax: 0.10.2.dev20260603
libtpu: 0.0.44.dev20260713+nightly
codegen_flags: <defaults>
</compile_context>

<pallas_src>
import functools

import jax
import jax.numpy as jnp
from jax import lax
from jax.experimental import pallas as pl
from jax.experimental.pallas import tpu as pltpu
from jax.experimental.pallas import tpu_sc as plsc

_NUM_CORES = 2
_NUM_SUBCORES = 16
_NW = _NUM_CORES * _NUM_SUBCORES
_BCHUNK = 8
_SPAD = 56
_DPAD = 128


@functools.partial(jax.jit, static_argnums=(2, 3))
def _embed(idx, weight, seq, D):
    NB, SP = idx.shape
    V, DP = weight.shape
    nb_per_w = NB // _NW
    n_chunks = nb_per_w // _BCHUNK

    mesh = plsc.VectorSubcoreMesh(core_axis_name="c", subcore_axis_name="s")

    @functools.partial(
        pl.kernel,
        mesh=mesh,
        out_type=jax.ShapeDtypeStruct((NB, _SPAD, _DPAD), jnp.float32),
        compiler_params=pltpu.CompilerParams(use_tc_tiling_on_sc=False),
        scratch_types=[
            pltpu.VMEM((2, _BCHUNK, SP), jnp.int32),
            pltpu.VMEM((2, _BCHUNK, _SPAD, DP), jnp.float32),
            pltpu.SemaphoreType.DMA,
            pltpu.SemaphoreType.DMA,
            pltpu.SemaphoreType.DMA,
            pltpu.SemaphoreType.DMA,
            pltpu.SemaphoreType.DMA,
            pltpu.SemaphoreType.DMA,
        ],
    )
    def emb(idx_hbm, table_hbm, out_hbm, idx_v, rows_v, si0, si1, sg0, sg1,
            ss0, ss1):
        wid = lax.axis_index("s") * _NUM_CORES + lax.axis_index("c")
        base = wid * nb_per_w
        sem_i = (si0, si1)
        sem_g = (sg0, sg1)
        sem_s = (ss0, ss1)

        def idx_copy(g, b):
            return pltpu.make_async_copy(
                idx_hbm.at[pl.ds(base + g * _BCHUNK, _BCHUNK), :],
                idx_v.at[b], sem_i[b])

        def gather(b, j):
            return pltpu.make_async_copy(
                table_hbm.at[idx_v.at[b, j, pl.ds(0, _SPAD)]],
                rows_v.at[b, j], sem_g[b])

        def store(g, b):
            return pltpu.make_async_copy(
                rows_v.at[b, :, :, pl.ds(0, D)],
                out_hbm.at[pl.ds(base + g * _BCHUNK, _BCHUNK), :,
                           pl.ds(0, D)], sem_s[b])

        idx_copy(0, 0).start()
        idx_copy(1, 1).start()

        @pl.loop(0, n_chunks, step=2)
        def _(g0):
            for b in range(2):
                g = g0 + b
                idx_copy(g, b).wait()

                @pl.when(g >= 2)
                def _():
                    store(g, b).wait()

                for j in range(_BCHUNK):
                    gather(b, j).start()
                for j in range(_BCHUNK):
                    gather(b, j).wait()

                @pl.when(g + 2 < n_chunks)
                def _():
                    idx_copy(g + 2, b).start()

                store(g, b).start()

        store(0, 0).wait()
        store(1, 1).wait()

    return emb(idx, weight)


def kernel(input_ids, weight):
    NB, S = input_ids.shape
    V, D = weight.shape
    idx = jnp.pad(input_ids, ((0, 0), (0, 128 - S)), mode="wrap")
    wpad = jnp.pad(weight, ((0, 0), (0, 128 - D)))
    out_padded = _embed(idx, wpad, S, D)
    return out_padded[:, :S, :D]

# --- scband reference (transcript-rebuilt; emitter-appended) ---
"""Pipeline reference for scband-vocab-parallel-embedding-74131135529692 (READ-ONLY COPY).

The authoritative reference and input builder live on the scoring server;
editing this copy changes nothing except your own understanding.
"""

import jax, jax.numpy as jnp
import numpy as np

NUM_EMBEDDINGS = 1000000
EMBEDDING_DIM = 64
BATCH = 16384
SEQ = 50

def setup_inputs(seed: int = 0) -> dict:
    key = jax.random.key(seed)
    k1, k2 = jax.random.split(key)
    input_ids = jax.random.randint(k1, (BATCH, SEQ), 0, NUM_EMBEDDINGS, dtype=jnp.int64 if jax.config.jax_enable_x64 else jnp.int32)
    weight = jax.random.normal(k2, (NUM_EMBEDDINGS, EMBEDDING_DIM), dtype=jnp.float32)
    return {"input_ids": input_ids, "weight": weight}

def reference(input_ids, weight):
    # tensor_parallel_size == 1 path: plain embedding lookup (padding_idx=None)
    return jnp.take(weight, input_ids, axis=0)

if __name__ == "__main__":
    import jax
    _d = setup_inputs()
    print(jax.jit(kernel)(*tuple(_d.values())))

</pallas_src>

<mosaic_0001>
#map = affine_map<(d0, d1) -> (0, 0)>
#map1 = affine_map<(d0, d1) -> (0, 0, 0)>
module attributes {stable_mosaic.version = 14 : i64} {
  func.func @emb(%arg0: i32, %arg1: i32, %arg2: memref<16384x128xi32, #tpu.memory_space<hbm>>, %arg3: memref<1000000x128xf32, #tpu.memory_space<hbm>>, %arg4: memref<16384x56x128xf32, #tpu.memory_space<hbm>>, %arg5: memref<2x8x128xi32, #tpu.memory_space<vmem>>, %arg6: memref<2x8x56x128xf32, #tpu.memory_space<vmem>>, %arg7: memref<!tpu.dma_semaphore, #tpu.memory_space<semaphore_mem>>, %arg8: memref<!tpu.dma_semaphore, #tpu.memory_space<semaphore_mem>>, %arg9: memref<!tpu.dma_semaphore, #tpu.memory_space<semaphore_mem>>, %arg10: memref<!tpu.dma_semaphore, #tpu.memory_space<semaphore_mem>>, %arg11: memref<!tpu.dma_semaphore, #tpu.memory_space<semaphore_mem>>, %arg12: memref<!tpu.dma_semaphore, #tpu.memory_space<semaphore_mem>>) attributes {dimension_semantics = [#tpu.dimension_semantics<core_parallel>, #tpu.dimension_semantics<subcore_parallel>], iteration_bounds = array<i64: 2, 16>, scalar_prefetch = 0 : i64, scratch_operands = 8 : i64, tpu.core_type = #tpu.core_type<sc_vector_subcore>, window_params = [{transform_indices = #map}, {transform_indices = #map}, {transform_indices = #map1}]} {
    %mul3A = arith.constant 2 : i32
    %mul3A_0 = arith.muli %arg1, %mul3A : i32
    %add3A = arith.addi %mul3A_0, %arg0 : i32
    %mul3A_1 = arith.constant 512 : i32
    %mul3A_2 = arith.muli %add3A, %mul3A_1 : i32
    %add3A_3 = arith.constant 0 : i32
    %add3A_4 = arith.addi %mul3A_2, %add3A_3 : i32
    %dma_start3A = arith.constant 0 : i32
    %dma_start3A_5 = arith.constant 0 : i32
    %dma_start3A_6 = arith.constant 0 : i32
    %dma_start3A_7 = tpu.memref_slice %arg5[%dma_start3A, %dma_start3A_5, %dma_start3A_6] : memref<2x8x128xi32, #tpu.memory_space<vmem>> -> memref<1x8x128xi32, #tpu.memory_space<vmem>>
    %dma_start3A_8 = tpu.memref_squeeze %dma_start3A_7 : memref<1x8x128xi32, #tpu.memory_space<vmem>> -> memref<8x128xi32, #tpu.memory_space<vmem>>
    %dma_start3A_9 = arith.constant 0 : i32
    %dma_start3A_10 = tpu.memref_slice %arg2[%add3A_4, %dma_start3A_9] : memref<16384x128xi32, #tpu.memory_space<hbm>> -> memref<8x128xi32, #tpu.memory_space<hbm>>
    %dma_start3A_11 = arith.constant 0 : i32
    %dma_start3A_12 = arith.constant 0 : i32
    %dma_start3A_13 = tpu.memref_slice %arg5[%dma_start3A, %dma_start3A_11, %dma_start3A_12] : memref<2x8x128xi32, #tpu.memory_space<vmem>> -> memref<1x8x128xi32, #tpu.memory_space<vmem>>
    %dma_start3A_14 = tpu.memref_squeeze %dma_start3A_13 : memref<1x8x128xi32, #tpu.memory_space<vmem>> -> memref<8x128xi32, #tpu.memory_space<vmem>>
    %dma_start3A_15 = arith.constant 0 : i32
    %dma_start3A_16 = tpu.memref_slice %arg2[%add3A_4, %dma_start3A_15] : memref<16384x128xi32, #tpu.memory_space<hbm>> -> memref<8x128xi32, #tpu.memory_space<hbm>>
    tpu.enqueue_dma source(%dma_start3A_16 : memref<8x128xi32, #tpu.memory_space<hbm>>) target(%dma_start3A_14 : memref<8x128xi32, #tpu.memory_space<vmem>>) target_semaphore(%arg7 : memref<!tpu.dma_semaphore, #tpu.memory_space<semaphore_mem>>)
    %add3A_17 = arith.constant 8 : i32
    %add3A_18 = arith.addi %mul3A_2, %add3A_17 : i32
    %dma_start3A_19 = arith.constant 1 : i32
    %dma_start3A_20 = arith.constant 0 : i32
    %dma_start3A_21 = arith.constant 0 : i32
    %dma_start3A_22 = tpu.memref_slice %arg5[%dma_start3A_19, %dma_start3A_20, %dma_start3A_21] : memref<2x8x128xi32, #tpu.memory_space<vmem>> -> memref<1x8x128xi32, #tpu.memory_space<vmem>>
    %dma_start3A_23 = tpu.memref_squeeze %dma_start3A_22 : memref<1x8x128xi32, #tpu.memory_space<vmem>> -> memref<8x128xi32, #tpu.memory_space<vmem>>
    %dma_start3A_24 = arith.constant 0 : i32
    %dma_start3A_25 = tpu.memref_slice %arg2[%add3A_18, %dma_start3A_24] : memref<16384x128xi32, #tpu.memory_space<hbm>> -> memref<8x128xi32, #tpu.memory_space<hbm>>
    %dma_start3A_26 = arith.constant 0 : i32
    %dma_start3A_27 = arith.constant 0 : i32
    %dma_start3A_28 = tpu.memref_slice %arg5[%dma_start3A_19, %dma_start3A_26, %dma_start3A_27] : memref<2x8x128xi32, #tpu.memory_space<vmem>> -> memref<1x8x128xi32, #tpu.memory_space<vmem>>
    %dma_start3A_29 = tpu.memref_squeeze %dma_start3A_28 : memref<1x8x128xi32, #tpu.memory_space<vmem>> -> memref<8x128xi32, #tpu.memory_space<vmem>>
    %dma_start3A_30 = arith.constant 0 : i32
    %dma_start3A_31 = tpu.memref_slice %arg2[%add3A_18, %dma_start3A_30] : memref<16384x128xi32, #tpu.memory_space<hbm>> -> memref<8x128xi32, #tpu.memory_space<hbm>>
    tpu.enqueue_dma source(%dma_start3A_31 : memref<8x128xi32, #tpu.memory_space<hbm>>) target(%dma_start3A_29 : memref<8x128xi32, #tpu.memory_space<vmem>>) target_semaphore(%arg8 : memref<!tpu.dma_semaphore, #tpu.memory_space<semaphore_mem>>)
    %scan3A = arith.constant 0 : i32
    %scan3A_32 = arith.constant 32 : i32
    %scan3A_33 = arith.addi %scan3A, %scan3A_32 : i32
    %scan3A_34 = arith.constant 1 : i32
    scf.for %scan3A_73 = %scan3A to %scan3A_33 step %scan3A_34  : i32 {
      %mul3A_74 = arith.constant 2 : i32
      %mul3A_75 = arith.muli %scan3A_73, %mul3A_74 : i32
      %add3A_76 = arith.constant 0 : i32
      %add3A_77 = arith.addi %add3A_76, %mul3A_75 : i32
      %add3A_78 = arith.constant 0 : i32
      %add3A_79 = arith.addi %add3A_77, %add3A_78 : i32
      %mul3A_80 = arith.constant 8 : i32
      %mul3A_81 = arith.muli %add3A_79, %mul3A_80 : i32
      %add3A_82 = arith.addi %mul3A_2, %mul3A_81 : i32
      %dma_wait3A_83 = arith.constant 0 : i32
      %dma_wait3A_84 = arith.constant 0 : i32
      %dma_wait3A_85 = arith.constant 0 : i32
      %dma_wait3A_86 = tpu.memref_slice %arg5[%dma_wait3A_83, %dma_wait3A_84, %dma_wait3A_85] : memref<2x8x128xi32, #tpu.memory_space<vmem>> -> memref<1x8x128xi32, #tpu.memory_space<vmem>>
      %dma_wait3A_87 = tpu.memref_squeeze %dma_wait3A_86 : memref<1x8x128xi32, #tpu.memory_space<vmem>> -> memref<8x128xi32, #tpu.memory_space<vmem>>
      %dma_wait3A_88 = arith.constant 0 : i32
      %dma_wait3A_89 = tpu.memref_slice %arg2[%add3A_82, %dma_wait3A_88] : memref<16384x128xi32, #tpu.memory_space<hbm>> -> memref<8x128xi32, #tpu.memory_space<hbm>>
      %dma_wait3A_90 = arith.constant 0 : i32
      %dma_wait3A_91 = arith.constant 0 : i32
      %dma_wait3A_92 = tpu.memref_slice %arg5[%dma_wait3A_83, %dma_wait3A_90, %dma_wait3A_91] : memref<2x8x128xi32, #tpu.memory_space<vmem>> -> memref<1x8x128xi32, #tpu.memory_space<vmem>>
      %dma_wait3A_93 = tpu.memref_squeeze %dma_wait3A_92 : memref<1x8x128xi32, #tpu.memory_space<vmem>> -> memref<8x128xi32, #tpu.memory_space<vmem>>
      %dma_wait3A_94 = arith.constant 0 : i32
      %dma_wait3A_95 = tpu.memref_slice %arg2[%add3A_82, %dma_wait3A_94] : memref<16384x128xi32, #tpu.memory_space<hbm>> -> memref<8x128xi32, #tpu.memory_space<hbm>>
      tpu.wait_dma2 semaphore(%arg7 : memref<!tpu.dma_semaphore, #tpu.memory_space<semaphore_mem>>) src(%dma_wait3A_95 : memref<8x128xi32, #tpu.memory_space<hbm>>) dst(%dma_wait3A_93 : memref<8x128xi32, #tpu.memory_space<vmem>>)
      %ge3A = arith.constant 2 : i32
      %ge3A_96 = arith.cmpi sge, %add3A_79, %ge3A : i32
      %convert_element_type3A = arith.extui %ge3A_96 : i1 to i32
      %cond3A = arith.constant 0 : i32
      %cond3A_97 = arith.cmpi ne, %convert_element_type3A, %cond3A : i32
      scf.if %cond3A_97 {
        %mul3A_622 = arith.constant 8 : i32
        %mul3A_623 = arith.muli %add3A_79, %mul3A_622 : i32
        %add3A_624 = arith.addi %mul3A_2, %mul3A_623 : i32
        %dma_wait3A_625 = arith.constant 0 : i32
        %dma_wait3A_626 = arith.constant 0 : i32
        %dma_wait3A_627 = arith.constant 0 : i32
        %dma_wait3A_628 = arith.constant 0 : i32
        %dma_wait3A_629 = tpu.memref_slice %arg6[%dma_wait3A_625, %dma_wait3A_626, %dma_wait3A_627, %dma_wait3A_628] : memref<2x8x56x128xf32, #tpu.memory_space<vmem>> -> memref<1x8x56x64xf32, #tpu.memory_space<vmem>>
        %dma_wait3A_630 = tpu.memref_squeeze %dma_wait3A_629 : memref<1x8x56x64xf32, #tpu.memory_space<vmem>> -> memref<8x56x64xf32, #tpu.memory_space<vmem>>
        %dma_wait3A_631 = arith.constant 0 : i32
        %dma_wait3A_632 = arith.constant 0 : i32
        %dma_wait3A_633 = tpu.memref_slice %arg4[%add3A_624, %dma_wait3A_631, %dma_wait3A_632] : memref<16384x56x128xf32, #tpu.memory_space<hbm>> -> memref<8x56x64xf32, #tpu.memory_space<hbm>>
        %dma_wait3A_634 = arith.constant 0 : i32
        %dma_wait3A_635 = arith.constant 0 : i32
        %dma_wait3A_636 = tpu.memref_slice %arg4[%add3A_624, %dma_wait3A_634, %dma_wait3A_635] : memref<16384x56x128xf32, #tpu.memory_space<hbm>> -> memref<8x56x64xf32, #tpu.memory_space<hbm>>
        %dma_wait3A_637 = arith.constant 0 : i32
        %dma_wait3A_638 = arith.constant 0 : i32
        %dma_wait3A_639 = arith.constant 0 : i32
        %dma_wait3A_640 = tpu.memref_slice %arg6[%dma_wait3A_625, %dma_wait3A_637, %dma_wait3A_638, %dma_wait3A_639] : memref<2x8x56x128xf32, #tpu.memory_space<vmem>> -> memref<1x8x56x64xf32, #tpu.memory_space<vmem>>
        %dma_wait3A_641 = tpu.memref_squeeze %dma_wait3A_640 : memref<1x8x56x64xf32, #tpu.memory_space<vmem>> -> memref<8x56x64xf32, #tpu.memory_space<vmem>>
        tpu.wait_dma2 semaphore(%arg11 : memref<!tpu.dma_semaphore, #tpu.memory_space<semaphore_mem>>) src(%dma_wait3A_641 : memref<8x56x64xf32, #tpu.memory_space<vmem>>) dst(%dma_wait3A_636 : memref<8x56x64xf32, #tpu.memory_space<hbm>>)
      } else {
      }
      %dma_start3A_98 = arith.constant 0 : i32
      %dma_start3A_99 = arith.constant 0 : i32
      %dma_start3A_100 = arith.constant 0 : i32
      %dma_start3A_101 = arith.constant 0 : i32
      %dma_start3A_102 = arith.constant 0 : i32
      %dma_start3A_103 = arith.constant 0 : i32
      %dma_start3A_104 = tpu.memref_slice %arg6[%dma_start3A_100, %dma_start3A_101, %dma_start3A_102, %dma_start3A_103] : memref<2x8x56x128xf32, #tpu.memory_space<vmem>> -> memref<1x1x56x128xf32, #tpu.memory_space<vmem>>
      %dma_start3A_105 = tpu.memref_squeeze %dma_start3A_104 : memref<1x1x56x128xf32, #tpu.memory_space<vmem>> -> memref<56x128xf32, #tpu.memory_space<vmem>>
      %dma_start3A_106 = arith.constant 0 : i32
      %dma_start3A_107 = tpu.memref_slice %arg5[%dma_start3A_98, %dma_start3A_99, %dma_start3A_106] : memref<2x8x128xi32, #tpu.memory_space<vmem>> -> memref<1x1x56xi32, #tpu.memory_space<vmem>>
      %dma_start3A_108 = tpu.memref_squeeze %dma_start3A_107 : memref<1x1x56xi32, #tpu.memory_space<vmem>> -> memref<56xi32, #tpu.memory_space<vmem>>
      %dma_start3A_109 = arith.constant 0 : i32
      %dma_start3A_110 = arith.constant 0 : i32
      %dma_start3A_111 = tpu.memref_slice %arg3[%dma_start3A_109, %dma_start3A_110] : memref<1000000x128xf32, #tpu.memory_space<hbm>> -> memref<1000000x128xf32, #tpu.memory_space<hbm>>
      tpu.enqueue_indirect_dma source(%dma_start3A_111 : memref<1000000x128xf32, #tpu.memory_space<hbm>>) target(%dma_start3A_105 : memref<56x128xf32, #tpu.memory_space<vmem>>) offsets(%dma_start3A_108 : memref<56xi32, #tpu.memory_space<vmem>>) semaphore(%arg9 : memref<!tpu.dma_semaphore, #tpu.memory_space<semaphore_mem>>)
      %dma_start3A_112 = arith.constant 0 : i32
      %dma_start3A_113 = arith.constant 1 : i32
      %dma_start3A_114 = arith.constant 0 : i32
      %dma_start3A_115 = arith.constant 1 : i32
      %dma_start3A_116 = arith.constant 0 : i32
      %dma_start3A_117 = arith.constant 0 : i32
      %dma_start3A_118 = tpu.memref_slice %arg6[%dma_start3A_114, %dma_start3A_115, %dma_start3A_116, %dma_start3A_117] : memref<2x8x56x128xf32, #tpu.memory_space<vmem>> -> memref<1x1x56x128xf32, #tpu.memory_space<vmem>>
      %dma_start3A_119 = tpu.memref_squeeze %dma_start3A_118 : memref<1x1x56x128xf32, #tpu.memory_space<vmem>> -> memref<56x128xf32, #tpu.memory_space<vmem>>
      %dma_start3A_120 = arith.constant 0 : i32
      %dma_start3A_121 = tpu.memref_slice %arg5[%dma_start3A_112, %dma_start3A_113, %dma_start3A_120] : memref<2x8x128xi32, #tpu.memory_space<vmem>> -> memref<1x1x56xi32, #tpu.memory_space<vmem>>
      %dma_start3A_122 = tpu.memref_squeeze %dma_start3A_121 : memref<1x1x56xi32, #tpu.memory_space<vmem>> -> memref<56xi32, #tpu.memory_space<vmem>>
      %dma_start3A_123 = arith.constant 0 : i32
      %dma_start3A_124 = arith.constant 0 : i32
      %dma_start3A_125 = tpu.memref_slice %arg3[%dma_start3A_123, %dma_start3A_124] : memref<1000000x128xf32, #tpu.memory_space<hbm>> -> memref<1000000x128xf32, #tpu.memory_space<hbm>>
      tpu.enqueue_indirect_dma source(%dma_start3A_125 : memref<1000000x128xf32, #tpu.memory_space<hbm>>) target(%dma_start3A_119 : memref<56x128xf32, #tpu.memory_space<vmem>>) offsets(%dma_start3A_122 : memref<56xi32, #tpu.memory_space<vmem>>) semaphore(%arg9 : memref<!tpu.dma_semaphore, #tpu.memory_space<semaphore_mem>>)
      %dma_start3A_126 = arith.constant 0 : i32
      %dma_start3A_127 = arith.constant 2 : i32
      %dma_start3A_128 = arith.constant 0 : i32
      %dma_start3A_129 = arith.constant 2 : i32
      %dma_start3A_130 = arith.constant 0 : i32
      %dma_start3A_131 = arith.constant 0 : i32
      %dma_start3A_132 = tpu.memref_slice %arg6[%dma_start3A_128, %dma_start3A_129, %dma_start3A_130, %dma_start3A_131] : memref<2x8x56x128xf32, #tpu.memory_space<vmem>> -> memref<1x1x56x128xf32, #tpu.memory_space<vmem>>
      %dma_start3A_133 = tpu.memref_squeeze %dma_start3A_132 : memref<1x1x56x128xf32, #tpu.memory_space<vmem>> -> memref<56x128xf32, #tpu.memory_space<vmem>>
      %dma_start3A_134 = arith.constant 0 : i32
      %dma_start3A_135 = tpu.memref_slice %arg5[%dma_start3A_126, %dma_start3A_127, %dma_start3A_134] : memref<2x8x128xi32, #tpu.memory_space<vmem>> -> memref<1x1x56xi32, #tpu.memory_space<vmem>>
      %dma_start3A_136 = tpu.memref_squeeze %dma_start3A_135 : memref<1x1x56xi32, #tpu.memory_space<vmem>> -> memref<56xi32, #tpu.memory_space<vmem>>
      %dma_start3A_137 = arith.constant 0 : i32
      %dma_start3A_138 = arith.constant 0 : i32
      %dma_start3A_139 = tpu.memref_slice %arg3[%dma_start3A_137, %dma_start3A_138] : memref<1000000x128xf32, #tpu.memory_space<hbm>> -> memref<1000000x128xf32, #tpu.memory_space<hbm>>
      tpu.enqueue_indirect_dma source(%dma_start3A_139 : memref<1000000x128xf32, #tpu.memory_space<hbm>>) target(%dma_start3A_133 : memref<56x128xf32, #tpu.memory_space<vmem>>) offsets(%dma_start3A_136 : memref<56xi32, #tpu.memory_space<vmem>>) semaphore(%arg9 : memref<!tpu.dma_semaphore, #tpu.memory_space<semaphore_mem>>)
      %dma_start3A_140 = arith.constant 0 : i32
      %dma_start3A_141 = arith.constant 3 : i32
      %dma_start3A_142 = arith.constant 0 : i32
      %dma_start3A_143 = arith.constant 3 : i32
      %dma_start3A_144 = arith.constant 0 : i32
      %dma_start3A_145 = arith.constant 0 : i32
      %dma_start3A_146 = tpu.memref_slice %arg6[%dma_start3A_142, %dma_start3A_143, %dma_start3A_144, %dma_start3A_145] : memref<2x8x56x128xf32, #tpu.memory_space<vmem>> -> memref<1x1x56x128xf32, #tpu.memory_space<vmem>>
      %dma_start3A_147 = tpu.memref_squeeze %dma_start3A_146 : memref<1x1x56x128xf32, #tpu.memory_space<vmem>> -> memref<56x128xf32, #tpu.memory_space<vmem>>
      %dma_start3A_148 = arith.constant 0 : i32
      %dma_start3A_149 = tpu.memref_slice %arg5[%dma_start3A_140, %dma_start3A_141, %dma_start3A_148] : memref<2x8x128xi32, #tpu.memory_space<vmem>> -> memref<1x1x56xi32, #tpu.memory_space<vmem>>
      %dma_start3A_150 = tpu.memref_squeeze %dma_start3A_149 : memref<1x1x56xi32, #tpu.memory_space<vmem>> -> memref<56xi32, #tpu.memory_space<vmem>>
      %dma_start3A_151 = arith.constant 0 : i32
      %dma_start3A_152 = arith.constant 0 : i32
      %dma_start3A_153 = tpu.memref_slice %arg3[%dma_start3A_151, %dma_start3A_152] : memref<1000000x128xf32, #tpu.memory_space<hbm>> -> memref<1000000x128xf32, #tpu.memory_space<hbm>>
      tpu.enqueue_indirect_dma source(%dma_start3A_153 : memref<1000000x128xf32, #tpu.memory_space<hbm>>) target(%dma_start3A_147 : memref<56x128xf32, #tpu.memory_space<vmem>>) offsets(%dma_start3A_150 : memref<56xi32, #tpu.memory_space<vmem>>) semaphore(%arg9 : memref<!tpu.dma_semaphore, #tpu.memory_space<semaphore_mem>>)
      %dma_start3A_154 = arith.constant 0 : i32
      %dma_start3A_155 = arith.constant 4 : i32
      %dma_start3A_156 = arith.constant 0 : i32
      %dma_start3A_157 = arith.constant 4 : i32
      %dma_start3A_158 = arith.constant 0 : i32
      %dma_start3A_159 = arith.constant 0 : i32
      %dma_start3A_160 = tpu.memref_slice %arg6[%dma_start3A_156, %dma_start3A_157, %dma_start3A_158, %dma_start3A_159] : memref<2x8x56x128xf32, #tpu.memory_space<vmem>> -> memref<1x1x56x128xf32, #tpu.memory_space<vmem>>
      %dma_start3A_161 = tpu.memref_squeeze %dma_start3A_160 : memref<1x1x56x128xf32, #tpu.memory_space<vmem>> -> memref<56x128xf32, #tpu.memory_space<vmem>>
      %dma_start3A_162 = arith.constant 0 : i32
      %dma_start3A_163 = tpu.memref_slice %arg5[%dma_start3A_154, %dma_start3A_155, %dma_start3A_162] : memref<2x8x128xi32, #tpu.memory_space<vmem>> -> memref<1x1x56xi32, #tpu.memory_space<vmem>>
      %dma_start3A_164 = tpu.memref_squeeze %dma_start3A_163 : memref<1x1x56xi32, #tpu.memory_space<vmem>> -> memref<56xi32, #tpu.memory_space<vmem>>
      %dma_start3A_165 = arith.constant 0 : i32
      %dma_start3A_166 = arith.constant 0 : i32
      %dma_start3A_167 = tpu.memref_slice %arg3[%dma_start3A_165, %dma_start3A_166] : memref<1000000x128xf32, #tpu.memory_space<hbm>> -> memref<1000000x128xf32, #tpu.memory_space<hbm>>
      tpu.enqueue_indirect_dma source(%dma_start3A_167 : memref<1000000x128xf32, #tpu.memory_space<hbm>>) target(%dma_start3A_161 : memref<56x128xf32, #tpu.memory_space<vmem>>) offsets(%dma_start3A_164 : memref<56xi32, #tpu.memory_space<vmem>>) semaphore(%arg9 : memref<!tpu.dma_semaphore, #tpu.memory_space<semaphore_mem>>)
      %dma_start3A_168 = arith.constant 0 : i32
      %dma_start3A_169 = arith.constant 5 : i32
      %dma_start3A_170 = arith.constant 0 : i32
      %dma_start3A_171 = arith.constant 5 : i32
      %dma_start3A_172 = arith.constant 0 : i32
      %dma_start3A_173 = arith.constant 0 : i32
      %dma_start3A_174 = tpu.memref_slice %arg6[%dma_start3A_170, %dma_start3A_171, %dma_start3A_172, %dma_start3A_173] : memref<2x8x56x128xf32, #tpu.memory_space<vmem>> -> memref<1x1x56x128xf32, #tpu.memory_space<vmem>>
      %dma_start3A_175 = tpu.memref_squeeze %dma_start3A_174 : memref<1x1x56x128xf32, #tpu.memory_space<vmem>> -> memref<56x128xf32, #tpu.memory_space<vmem>>
      %dma_start3A_176 = arith.constant 0 : i32
      %dma_start3A_177 = tpu.memref_slice %arg5[%dma_start3A_168, %dma_start3A_169, %dma_start3A_176] : memref<2x8x128xi32, #tpu.memory_space<vmem>> -> memref<1x1x56xi32, #tpu.memory_space<vmem>>
      %dma_start3A_178 = tpu.memref_squeeze %dma_start3A_177 : memref<1x1x56xi32, #tpu.memory_space<vmem>> -> memref<56xi32, #tpu.memory_space<vmem>>
      %dma_start3A_179 = arith.constant 0 : i32
      %dma_start3A_180 = arith.constant 0 : i32
      %dma_start3A_181 = tpu.memref_slice %arg3[%dma_start3A_179, %dma_start3A_180] : memref<1000000x128xf32, #tpu.memory_space<hbm>> -> memref<1000000x128xf32, #tpu.memory_space<hbm>>
      tpu.enqueue_indirect_dma source(%dma_start3A_181 : memref<1000000x128xf32, #tpu.memory_space<hbm>>) target(%dma_start3A_175 : memref<56x128xf32, #tpu.memory_space<vmem>>) offsets(%dma_start3A_178 : memref<56xi32, #tpu.memory_space<vmem>>) semaphore(%arg9 : memref<!tpu.dma_semaphore, #tpu.memory_space<semaphore_mem>>)
      %dma_start3A_182 = arith.constant 0 : i32
      %dma_start3A_183 = arith.constant 6 : i32
      %dma_start3A_184 = arith.constant 0 : i32
      %dma_start3A_185 = arith.constant 6 : i32
      %dma_start3A_186 = arith.constant 0 : i32
      %dma_start3A_187 = arith.constant 0 : i32
      %dma_start3A_188 = tpu.memref_slice %arg6[%dma_start3A_184, %dma_start3A_185, %dma_start3A_186, %dma_start3A_187] : memref<2x8x56x128xf32, #tpu.memory_space<vmem>> -> memref<1x1x56x128xf32, #tpu.memory_space<vmem>>
      %dma_start3A_189 = tpu.memref_squeeze %dma_start3A_188 : memref<1x1x56x128xf32, #tpu.memory_space<vmem>> -> memref<56x128xf32, #tpu.memory_space<vmem>>
      %dma_start3A_190 = arith.constant 0 : i32
      %dma_start3A_191 = tpu.memref_slice %arg5[%dma_start3A_182, %dma_start3A_183, %dma_start3A_190] : memref<2x8x128xi32, #tpu.memory_space<vmem>> -> memref<1x1x56xi32, #tpu.memory_space<vmem>>
      %dma_start3A_192 = tpu.memref_squeeze %dma_start3A_191 : memref<1x1x56xi32, #tpu.memory_space<vmem>> -> memref<56xi32, #tpu.memory_space<vmem>>
      %dma_start3A_193 = arith.constant 0 : i32
      %dma_start3A_194 = arith.constant 0 : i32
      %dma_start3A_195 = tpu.memref_slice %arg3[%dma_start3A_193, %dma_start3A_194] : memref<1000000x128xf32, #tpu.memory_space<hbm>> -> memref<1000000x128xf32, #tpu.memory_space<hbm>>
      tpu.enqueue_indirect_dma source(%dma_start3A_195 : memref<1000000x128xf32, #tpu.memory_space<hbm>>) target(%dma_start3A_189 : memref<56x128xf32, #tpu.memory_space<vmem>>) offsets(%dma_start3A_192 : memref<56xi32, #tpu.memory_space<vmem>>) semaphore(%arg9 : memref<!tpu.dma_semaphore, #tpu.memory_space<semaphore_mem>>)
      %dma_start3A_196 = arith.constant 0 : i32
      %dma_start3A_197 = arith.constant 7 : i32
      %dma_start3A_198 = arith.constant 0 : i32
      %dma_start3A_199 = arith.constant 7 : i32
      %dma_start3A_200 = arith.constant 0 : i32
      %dma_start3A_201 = arith.constant 0 : i32
      %dma_start3A_202 = tpu.memref_slice %arg6[%dma_start3A_198, %dma_start3A_199, %dma_start3A_200, %dma_start3A_201] : memref<2x8x56x128xf32, #tpu.memory_space<vmem>> -> memref<1x1x56x128xf32, #tpu.memory_space<vmem>>
      %dma_start3A_203 = tpu.memref_squeeze %dma_start3A_202 : memref<1x1x56x128xf32, #tpu.memory_space<vmem>> -> memref<56x128xf32, #tpu.memory_space<vmem>>
      %dma_start3A_204 = arith.constant 0 : i32
      %dma_start3A_205 = tpu.memref_slice %arg5[%dma_start3A_196, %dma_start3A_197, %dma_start3A_204] : memref<2x8x128xi32, #tpu.memory_space<vmem>> -> memref<1x1x56xi32, #tpu.memory_space<vmem>>
      %dma_start3A_206 = tpu.memref_squeeze %dma_start3A_205 : memref<1x1x56xi32, #tpu.memory_space<vmem>> -> memref<56xi32, #tpu.memory_space<vmem>>
      %dma_start3A_207 = arith.constant 0 : i32
      %dma_start3A_208 = arith.constant 0 : i32
      %dma_start3A_209 = tpu.memref_slice %arg3[%dma_start3A_207, %dma_start3A_208] : memref<1000000x128xf32, #tpu.memory_space<hbm>> -> memref<1000000x128xf32, #tpu.memory_space<hbm>>
      tpu.enqueue_indirect_dma source(%dma_start3A_209 : memref<1000000x128xf32, #tpu.memory_space<hbm>>) target(%dma_start3A_203 : memref<56x128xf32, #tpu.memory_space<vmem>>) offsets(%dma_start3A_206 : memref<56xi32, #tpu.memory_space<vmem>>) semaphore(%arg9 : memref<!tpu.dma_semaphore, #tpu.memory_space<semaphore_mem>>)
      %dma_wait3A_210 = arith.constant 0 : i32
      %dma_wait3A_211 = arith.constant 0 : i32
      %dma_wait3A_212 = arith.constant 0 : i32
      %dma_wait3A_213 = arith.constant 0 : i32
      %dma_wait3A_214 = arith.constant 0 : i32
      %dma_wait3A_215 = arith.constant 0 : i32
      %dma_wait3A_216 = tpu.memref_slice %arg6[%dma_wait3A_212, %dma_wait3A_213, %dma_wait3A_214, %dma_wait3A_215] : memref<2x8x56x128xf32, #tpu.memory_space<vmem>> -> memref<1x1x56x128xf32, #tpu.memory_space<vmem>>
      %dma_wait3A_217 = tpu.memref_squeeze %dma_wait3A_216 : memref<1x1x56x128xf32, #tpu.memory_space<vmem>> -> memref<56x128xf32, #tpu.memory_space<vmem>>
      %dma_wait3A_218 = arith.constant 0 : i32
      %dma_wait3A_219 = tpu.memref_slice %arg5[%dma_wait3A_210, %dma_wait3A_211, %dma_wait3A_218] : memref<2x8x128xi32, #tpu.memory_space<vmem>> -> memref<1x1x56xi32, #tpu.memory_space<vmem>>
      %dma_wait3A_220 = tpu.memref_squeeze %dma_wait3A_219 : memref<1x1x56xi32, #tpu.memory_space<vmem>> -> memref<56xi32, #tpu.memory_space<vmem>>
      %dma_wait3A_221 = arith.constant 0 : i32
      %dma_wait3A_222 = arith.constant 0 : i32
      %dma_wait3A_223 = tpu.memref_slice %arg3[%dma_wait3A_221, %dma_wait3A_222] : memref<1000000x128xf32, #tpu.memory_space<hbm>> -> memref<1000000x128xf32, #tpu.memory_space<hbm>>
      tpu.wait_indirect_dma semaphore(%arg9 : memref<!tpu.dma_semaphore, #tpu.memory_space<semaphore_mem>>) src(%dma_wait3A_223 : memref<1000000x128xf32, #tpu.memory_space<hbm>>) dst(%dma_wait3A_217 : memref<56x128xf32, #tpu.memory_space<vmem>>)
      %dma_wait3A_224 = arith.constant 0 : i32
      %dma_wait3A_225 = arith.constant 1 : i32
      %dma_wait3A_226 = arith.constant 0 : i32
      %dma_wait3A_227 = arith.constant 1 : i32
      %dma_wait3A_228 = arith.constant 0 : i32
      %dma_wait3A_229 = arith.constant 0 : i32
      %dma_wait3A_230 = tpu.memref_slice %arg6[%dma_wait3A_226, %dma_wait3A_227, %dma_wait3A_228, %dma_wait3A_229] : memref<2x8x56x128xf32, #tpu.memory_space<vmem>> -> memref<1x1x56x128xf32, #tpu.memory_space<vmem>>
      %dma_wait3A_231 = tpu.memref_squeeze %dma_wait3A_230 : memref<1x1x56x128xf32, #tpu.memory_space<vmem>> -> memref<56x128xf32, #tpu.memory_space<vmem>>
      %dma_wait3A_232 = arith.constant 0 : i32
      %dma_wait3A_233 = tpu.memref_slice %arg5[%dma_wait3A_224, %dma_wait3A_225, %dma_wait3A_232] : memref<2x8x128xi32, #tpu.memory_space<vmem>> -> memref<1x1x56xi32, #tpu.memory_space<vmem>>
      %dma_wait3A_234 = tpu.memref_squeeze %dma_wait3A_233 : memref<1x1x56xi32, #tpu.memory_space<vmem>> -> memref<56xi32, #tpu.memory_space<vmem>>
      %dma_wait3A_235 = arith.constant 0 : i32
      %dma_wait3A_236 = arith.constant 0 : i32
      %dma_wait3A_237 = tpu.memref_slice %arg3[%dma_wait3A_235, %dma_wait3A_236] : memref<1000000x128xf32, #tpu.memory_space<hbm>> -> memref<1000000x128xf32, #tpu.memory_space<hbm>>
      tpu.wait_indirect_dma semaphore(%arg9 : memref<!tpu.dma_semaphore, #tpu.memory_space<semaphore_mem>>) src(%dma_wait3A_237 : memref<1000000x128xf32, #tpu.memory_space<hbm>>) dst(%dma_wait3A_231 : memref<56x128xf32, #tpu.memory_space<vmem>>)
      %dma_wait3A_238 = arith.constant 0 : i32
      %dma_wait3A_239 = arith.constant 2 : i32
      %dma_wait3A_240 = arith.constant 0 : i32
      %dma_wait3A_241 = arith.constant 2 : i32
      %dma_wait3A_242 = arith.constant 0 : i32
      %dma_wait3A_243 = arith.constant 0 : i32
      %dma_wait3A_244 = tpu.memref_slice %arg6[%dma_wait3A_240, %dma_wait3A_241, %dma_wait3A_242, %dma_wait3A_243] : memref<2x8x56x128xf32, #tpu.memory_space<vmem>> -> memref<1x1x56x128xf32, #tpu.memory_space<vmem>>
      %dma_wait3A_245 = tpu.memref_squeeze %dma_wait3A_244 : memref<1x1x56x128xf32, #tpu.memory_space<vmem>> -> memref<56x128xf32, #tpu.memory_space<vmem>>
      %dma_wait3A_246 = arith.constant 0 : i32
      %dma_wait3A_247 = tpu.memref_slice %arg5[%dma_wait3A_238, %dma_wait3A_239, %dma_wait3A_246] : memref<2x8x128xi32, #tpu.memory_space<vmem>> -> memref<1x1x56xi32, #tpu.memory_space<vmem>>
      %dma_wait3A_248 = tpu.memref_squeeze %dma_wait3A_247 : memref<1x1x56xi32, #tpu.memory_space<vmem>> -> memref<56xi32, #tpu.memory_space<vmem>>
      %dma_wait3A_249 = arith.constant 0 : i32
      %dma_wait3A_250 = arith.constant 0 : i32
      %dma_wait3A_251 = tpu.memref_slice %arg3[%dma_wait3A_249, %dma_wait3A_250] : memref<1000000x128xf32, #tpu.memory_space<hbm>> -> memref<1000000x128xf32, #tpu.memory_space<hbm>>
      tpu.wait_indirect_dma semaphore(%arg9 : memref<!tpu.dma_semaphore, #tpu.memory_space<semaphore_mem>>) src(%dma_wait3A_251 : memref<1000000x128xf32, #tpu.memory_space<hbm>>) dst(%dma_wait3A_245 : memref<56x128xf32, #tpu.memory_space<vmem>>)
      %dma_wait3A_252 = arith.constant 0 : i32
      %dma_wait3A_253 = arith.constant 3 : i32
      %dma_wait3A_254 = arith.constant 0 : i32
      %dma_wait3A_255 = arith.constant 3 : i32
      %dma_wait3A_256 = arith.constant 0 : i32
      %dma_wait3A_257 = arith.constant 0 : i32
      %dma_wait3A_258 = tpu.memref_slice %arg6[%dma_wait3A_254, %dma_wait3A_255, %dma_wait3A_256, %dma_wait3A_257] : memref<2x8x56x128xf32, #tpu.memory_space<vmem>> -> memref<1x1x56x128xf32, #tpu.memory_space<vmem>>
      %dma_wait3A_259 = tpu.memref_squeeze %dma_wait3A_258 : memref<1x1x56x128xf32, #tpu.memory_space<vmem>> -> memref<56x128xf32, #tpu.memory_space<vmem>>
      %dma_wait3A_260 = arith.constant 0 : i32
      %dma_wait3A_261 = tpu.memref_slice %arg5[%dma_wait3A_252, %dma_wait3A_253, %dma_wait3A_260] : memref<2x8x128xi32, #tpu.memory_space<vmem>> -> memref<1x1x56xi32, #tpu.memory_space<vmem>>
      %dma_wait3A_262 = tpu.memref_squeeze %dma_wait3A_261 : memref<1x1x56xi32, #tpu.memory_space<vmem>> -> memref<56xi32, #tpu.memory_space<vmem>>
      %dma_wait3A_263 = arith.constant 0 : i32
      %dma_wait3A_264 = arith.constant 0 : i32
      %dma_wait3A_265 = tpu.memref_slice %arg3[%dma_wait3A_263, %dma_wait3A_264] : memref<1000000x128xf32, #tpu.memory_space<hbm>> -> memref<1000000x128xf32, #tpu.memory_space<hbm>>
      tpu.wait_indirect_dma semaphore(%arg9 : memref<!tpu.dma_semaphore, #tpu.memory_space<semaphore_mem>>) src(%dma_wait3A_265 : memref<1000000x128xf32, #tpu.memory_space<hbm>>) dst(%dma_wait3A_259 : memref<56x128xf32, #tpu.memory_space<vmem>>)
      %dma_wait3A_266 = arith.constant 0 : i32
      %dma_wait3A_267 = arith.constant 4 : i32
      %dma_wait3A_268 = arith.constant 0 : i32
      %dma_wait3A_269 = arith.constant 4 : i32
      %dma_wait3A_270 = arith.constant 0 : i32
      %dma_wait3A_271 = arith.constant 0 : i32
      %dma_wait3A_272 = tpu.memref_slice %arg6[%dma_wait3A_268, %dma_wait3A_269, %dma_wait3A_270, %dma_wait3A_271] : memref<2x8x56x128xf32, #tpu.memory_space<vmem>> -> memref<1x1x56x128xf32, #tpu.memory_space<vmem>>
      %dma_wait3A_273 = tpu.memref_squeeze %dma_wait3A_272 : memref<1x1x56x128xf32, #tpu.memory_space<vmem>> -> memref<56x128xf32, #tpu.memory_space<vmem>>
      %dma_wait3A_274 = arith.constant 0 : i32
      %dma_wait3A_275 = tpu.memref_slice %arg5[%dma_wait3A_266, %dma_wait3A_267, %dma_wait3A_274] : memref<2x8x128xi32, #tpu.memory_space<vmem>> -> memref<1x1x56xi32, #tpu.memory_space<vmem>>
      %dma_wait3A_276 = tpu.memref_squeeze %dma_wait3A_275 : memref<1x1x56xi32, #tpu.memory_space<vmem>> -> memref<56xi32, #tpu.memory_space<vmem>>
      %dma_wait3A_277 = arith.constant 0 : i32
      %dma_wait3A_278 = arith.constant 0 : i32
      %dma_wait3A_279 = tpu.memref_slice %arg3[%dma_wait3A_277, %dma_wait3A_278] : memref<1000000x128xf32, #tpu.memory_space<hbm>> -> memref<1000000x128xf32, #tpu.memory_space<hbm>>
      tpu.wait_indirect_dma semaphore(%arg9 : memref<!tpu.dma_semaphore, #tpu.memory_space<semaphore_mem>>) src(%dma_wait3A_279 : memref<1000000x128xf32, #tpu.memory_space<hbm>>) dst(%dma_wait3A_273 : memref<56x128xf32, #tpu.memory_space<vmem>>)
      %dma_wait3A_280 = arith.constant 0 : i32
      %dma_wait3A_281 = arith.constant 5 : i32
      %dma_wait3A_282 = arith.constant 0 : i32
      %dma_wait3A_283 = arith.constant 5 : i32
      %dma_wait3A_284 = arith.constant 0 : i32
      %dma_wait3A_285 = arith.constant 0 : i32
      %dma_wait3A_286 = tpu.memref_slice %arg6[%dma_wait3A_282, %dma_wait3A_283, %dma_wait3A_284, %dma_wait3A_285] : memref<2x8x56x128xf32, #tpu.memory_space<vmem>> -> memref<1x1x56x128xf32, #tpu.memory_space<vmem>>
      %dma_wait3A_287 = tpu.memref_squeeze %dma_wait3A_286 : memref<1x1x56x128xf32, #tpu.memory_space<vmem>> -> memref<56x128xf32, #tpu.memory_space<vmem>>
      %dma_wait3A_288 = arith.constant 0 : i32
      %dma_wait3A_289 = tpu.memref_slice %arg5[%dma_wait3A_280, %dma_wait3A_281, %dma_wait3A_288] : memref<2x8x128xi32, #tpu.memory_space<vmem>> -> memref<1x1x56xi32, #tpu.memory_space<vmem>>
      %dma_wait3A_290 = tpu.memref_squeeze %dma_wait3A_289 : memref<1x1x56xi32, #tpu.memory_space<vmem>> -> memref<56xi32, #tpu.memory_space<vmem>>
      %dma_wait3A_291 = arith.constant 0 : i32
      %dma_wait3A_292 = arith.constant 0 : i32
      %dma_wait3A_293 = tpu.memref_slice %arg3[%dma_wait3A_291, %dma_wait3A_292] : memref<1000000x128xf32, #tpu.memory_space<hbm>> -> memref<1000000x128xf32, #tpu.memory_space<hbm>>
      tpu.wait_indirect_dma semaphore(%arg9 : memref<!tpu.dma_semaphore, #tpu.memory_space<semaphore_mem>>) src(%dma_wait3A_293 : memref<1000000x128xf32, #tpu.memory_space<hbm>>) dst(%dma_wait3A_287 : memref<56x128xf32, #tpu.memory_space<vmem>>)
      %dma_wait3A_294 = arith.constant 0 : i32
      %dma_wait3A_295 = arith.constant 6 : i32
      %dma_wait3A_296 = arith.constant 0 : i32
      %dma_wait3A_297 = arith.constant 6 : i32
      %dma_wait3A_298 = arith.constant 0 : i32
      %dma_wait3A_299 = arith.constant 0 : i32
      %dma_wait3A_300 = tpu.memref_slice %arg6[%dma_wait3A_296, %dma_wait3A_297, %dma_wait3A_298, %dma_wait3A_299] : memref<2x8x56x128xf32, #tpu.memory_space<vmem>> -> memref<1x1x56x128xf32, #tpu.memory_space<vmem>>
      %dma_wait3A_301 = tpu.memref_squeeze %dma_wait3A_300 : memref<1x1x56x128xf32, #tpu.memory_space<vmem>> -> memref<56x128xf32, #tpu.memory_space<vmem>>
      %dma_wait3A_302 = arith.constant 0 : i32
      %dma_wait3A_303 = tpu.memref_slice %arg5[%dma_wait3A_294, %dma_wait3A_295, %dma_wait3A_302] : memref<2x8x128xi32, #tpu.memory_space<vmem>> -> memref<1x1x56xi32, #tpu.memory_space<vmem>>
      %dma_wait3A_304 = tpu.memref_squeeze %dma_wait3A_303 : memref<1x1x56xi32, #tpu.memory_space<vmem>> -> memref<56xi32, #tpu.memory_space<vmem>>
      %dma_wait3A_305 = arith.constant 0 : i32
      %dma_wait3A_306 = arith.constant 0 : i32
      %dma_wait3A_307 = tpu.memref_slice %arg3[%dma_wait3A_305, %dma_wait3A_306] : memref<1000000x128xf32, #tpu.memory_space<hbm>> -> memref<1000000x128xf32, #tpu.memory_space<hbm>>
      tpu.wait_indirect_dma semaphore(%arg9 : memref<!tpu.dma_semaphore, #tpu.memory_space<semaphore_mem>>) src(%dma_wait3A_307 : memref<1000000x128xf32, #tpu.memory_space<hbm>>) dst(%dma_wait3A_301 : memref<56x128xf32, #tpu.memory_space<vmem>>)
      %dma_wait3A_308 = arith.constant 0 : i32
      %dma_wait3A_309 = arith.constant 7 : i32
      %dma_wait3A_310 = arith.constant 0 : i32
      %dma_wait3A_311 = arith.constant 7 : i32
      %dma_wait3A_312 = arith.constant 0 : i32
      %dma_wait3A_313 = arith.constant 0 : i32
      %dma_wait3A_314 = tpu.memref_slice %arg6[%dma_wait3A_310, %dma_wait3A_311, %dma_wait3A_312, %dma_wait3A_313] : memref<2x8x56x128xf32, #tpu.memory_space<vmem>> -> memref<1x1x56x128xf32, #tpu.memory_space<vmem>>
      %dma_wait3A_315 = tpu.memref_squeeze %dma_wait3A_314 : memref<1x1x56x128xf32, #tpu.memory_space<vmem>> -> memref<56x128xf32, #tpu.memory_space<vmem>>
      %dma_wait3A_316 = arith.constant 0 : i32
      %dma_wait3A_317 = tpu.memref_slice %arg5[%dma_wait3A_308, %dma_wait3A_309, %dma_wait3A_316] : memref<2x8x128xi32, #tpu.memory_space<vmem>> -> memref<1x1x56xi32, #tpu.memory_space<vmem>>
      %dma_wait3A_318 = tpu.memref_squeeze %dma_wait3A_317 : memref<1x1x56xi32, #tpu.memory_space<vmem>> -> memref<56xi32, #tpu.memory_space<vmem>>
      %dma_wait3A_319 = arith.constant 0 : i32
      %dma_wait3A_320 = arith.constant 0 : i32
      %dma_wait3A_321 = tpu.memref_slice %arg3[%dma_wait3A_319, %dma_wait3A_320] : memref<1000000x128xf32, #tpu.memory_space<hbm>> -> memref<1000000x128xf32, #tpu.memory_space<hbm>>
      tpu.wait_indirect_dma semaphore(%arg9 : memref<!tpu.dma_semaphore, #tpu.memory_space<semaphore_mem>>) src(%dma_wait3A_321 : memref<1000000x128xf32, #tpu.memory_space<hbm>>) dst(%dma_wait3A_315 : memref<56x128xf32, #tpu.memory_space<vmem>>)
      %add3A_322 = arith.constant 2 : i32
      %add3A_323 = arith.addi %add3A_79, %add3A_322 : i32
      %lt3A = arith.constant 64 : i32
      %lt3A_324 = arith.cmpi slt, %add3A_323, %lt3A : i32
      %convert_element_type3A_325 = arith.extui %lt3A_324 : i1 to i32
      %cond3A_326 = arith.constant 0 : i32
      %cond3A_327 = arith.cmpi ne, %convert_element_type3A_325, %cond3A_326 : i32
      scf.if %cond3A_327 {
        %add3A_622 = arith.constant 2 : i32
        %add3A_623 = arith.addi %add3A_79, %add3A_622 : i32
        %mul3A_624 = arith.constant 8 : i32
        %mul3A_625 = arith.muli %add3A_623, %mul3A_624 : i32
        %add3A_626 = arith.addi %mul3A_2, %mul3A_625 : i32
        %dma_start3A_627 = arith.constant 0 : i32
        %dma_start3A_628 = arith.constant 0 : i32
        %dma_start3A_629 = arith.constant 0 : i32
        %dma_start3A_630 = tpu.memref_slice %arg5[%dma_start3A_627, %dma_start3A_628, %dma_start3A_629] : memref<2x8x128xi32, #tpu.memory_space<vmem>> -> memref<1x8x128xi32, #tpu.memory_space<vmem>>
        %dma_start3A_631 = tpu.memref_squeeze %dma_start3A_630 : memref<1x8x128xi32, #tpu.memory_space<vmem>> -> memref<8x128xi32, #tpu.memory_space<vmem>>
        %dma_start3A_632 = arith.constant 0 : i32
        %dma_start3A_633 = tpu.memref_slice %arg2[%add3A_626, %dma_start3A_632] : memref<16384x128xi32, #tpu.memory_space<hbm>> -> memref<8x128xi32, #tpu.memory_space<hbm>>
        %dma_start3A_634 = arith.constant 0 : i32
        %dma_start3A_635 = arith.constant 0 : i32
        %dma_start3A_636 = tpu.memref_slice %arg5[%dma_start3A_627, %dma_start3A_634, %dma_start3A_635] : memref<2x8x128xi32, #tpu.memory_space<vmem>> -> memref<1x8x128xi32, #tpu.memory_space<vmem>>
        %dma_start3A_637 = tpu.memref_squeeze %dma_start3A_636 : memref<1x8x128xi32, #tpu.memory_space<vmem>> -> memref<8x128xi32, #tpu.memory_space<vmem>>
        %dma_start3A_638 = arith.constant 0 : i32
        %dma_start3A_639 = tpu.memref_slice %arg2[%add3A_626, %dma_start3A_638] : memref<16384x128xi32, #tpu.memory_space<hbm>> -> memref<8x128xi32, #tpu.memory_space<hbm>>
        tpu.enqueue_dma source(%dma_start3A_639 : memref<8x128xi32, #tpu.memory_space<hbm>>) target(%dma_start3A_637 : memref<8x128xi32, #tpu.memory_space<vmem>>) target_semaphore(%arg7 : memref<!tpu.dma_semaphore, #tpu.memory_space<semaphore_mem>>)
      } else {
      }
      %mul3A_328 = arith.constant 8 : i32
      %mul3A_329 = arith.muli %add3A_79, %mul3A_328 : i32
      %add3A_330 = arith.addi %mul3A_2, %mul3A_329 : i32
      %dma_start3A_331 = arith.constant 0 : i32
      %dma_start3A_332 = arith.constant 0 : i32
      %dma_start3A_333 = arith.constant 0 : i32
      %dma_start3A_334 = arith.constant 0 : i32
      %dma_start3A_335 = tpu.memref_slice %arg6[%dma_start3A_331, %dma_start3A_332, %dma_start3A_333, %dma_start3A_334] : memref<2x8x56x128xf32, #tpu.memory_space<vmem>> -> memref<1x8x56x64xf32, #tpu.memory_space<vmem>>
      %dma_start3A_336 = tpu.memref_squeeze %dma_start3A_335 : memref<1x8x56x64xf32, #tpu.memory_space<vmem>> -> memref<8x56x64xf32, #tpu.memory_space<vmem>>
      %dma_start3A_337 = arith.constant 0 : i32
      %dma_start3A_338 = arith.constant 0 : i32
      %dma_start3A_339 = tpu.memref_slice %arg4[%add3A_330, %dma_start3A_337, %dma_start3A_338] : memref<16384x56x128xf32, #tpu.memory_space<hbm>> -> memref<8x56x64xf32, #tpu.memory_space<hbm>>
      %dma_start3A_340 = arith.constant 0 : i32
      %dma_start3A_341 = arith.constant 0 : i32
      %dma_start3A_342 = tpu.memref_slice %arg4[%add3A_330, %dma_start3A_340, %dma_start3A_341] : memref<16384x56x128xf32, #tpu.memory_space<hbm>> -> memref<8x56x64xf32, #tpu.memory_space<hbm>>
      %dma_start3A_343 = arith.constant 0 : i32
      %dma_start3A_344 = arith.constant 0 : i32
      %dma_start3A_345 = arith.constant 0 : i32
      %dma_start3A_346 = tpu.memref_slice %arg6[%dma_start3A_331, %dma_start3A_343, %dma_start3A_344, %dma_start3A_345] : memref<2x8x56x128xf32, #tpu.memory_space<vmem>> -> memref<1x8x56x64xf32, #tpu.memory_space<vmem>>
      %dma_start3A_347 = tpu.memref_squeeze %dma_start3A_346 : memref<1x8x56x64xf32, #tpu.memory_space<vmem>> -> memref<8x56x64xf32, #tpu.memory_space<vmem>>
      tpu.enqueue_dma source(%dma_start3A_347 : memref<8x56x64xf32, #tpu.memory_space<vmem>>) target(%dma_start3A_342 : memref<8x56x64xf32, #tpu.memory_space<hbm>>) target_semaphore(%arg11 : memref<!tpu.dma_semaphore, #tpu.memory_space<semaphore_mem>>)
      %add3A_348 = arith.constant 1 : i32
      %add3A_349 = arith.addi %add3A_77, %add3A_348 : i32
      %mul3A_350 = arith.constant 8 : i32
      %mul3A_351 = arith.muli %add3A_349, %mul3A_350 : i32
      %add3A_352 = arith.addi %mul3A_2, %mul3A_351 : i32
      %dma_wait3A_353 = arith.constant 1 : i32
      %dma_wait3A_354 = arith.constant 0 : i32
      %dma_wait3A_355 = arith.constant 0 : i32
      %dma_wait3A_356 = tpu.memref_slice %arg5[%dma_wait3A_353, %dma_wait3A_354, %dma_wait3A_355] : memref<2x8x128xi32, #tpu.memory_space<vmem>> -> memref<1x8x128xi32, #tpu.memory_space<vmem>>
      %dma_wait3A_357 = tpu.memref_squeeze %dma_wait3A_356 : memref<1x8x128xi32, #tpu.memory_space<vmem>> -> memref<8x128xi32, #tpu.memory_space<vmem>>
      %dma_wait3A_358 = arith.constant 0 : i32
      %dma_wait3A_359 = tpu.memref_slice %arg2[%add3A_352, %dma_wait3A_358] : memref<16384x128xi32, #tpu.memory_space<hbm>> -> memref<8x128xi32, #tpu.memory_space<hbm>>
      %dma_wait3A_360 = arith.constant 0 : i32
      %dma_wait3A_361 = arith.constant 0 : i32
      %dma_wait3A_362 = tpu.memref_slice %arg5[%dma_wait3A_353, %dma_wait3A_360, %dma_wait3A_361] : memref<2x8x128xi32, #tpu.memory_space<vmem>> -> memref<1x8x128xi32, #tpu.memory_space<vmem>>
      %dma_wait3A_363 = tpu.memref_squeeze %dma_wait3A_362 : memref<1x8x128xi32, #tpu.memory_space<vmem>> -> memref<8x128xi32, #tpu.memory_space<vmem>>
      %dma_wait3A_364 = arith.constant 0 : i32
      %dma_wait3A_365 = tpu.memref_slice %arg2[%add3A_352, %dma_wait3A_364] : memref<16384x128xi32, #tpu.memory_space<hbm>> -> memref<8x128xi32, #tpu.memory_space<hbm>>
      tpu.wait_dma2 semaphore(%arg8 : memref<!tpu.dma_semaphore, #tpu.memory_space<semaphore_mem>>) src(%dma_wait3A_365 : memref<8x128xi32, #tpu.memory_space<hbm>>) dst(%dma_wait3A_363 : memref<8x128xi32, #tpu.memory_space<vmem>>)
      %ge3A_366 = arith.constant 2 : i32
      %ge3A_367 = arith.cmpi sge, %add3A_349, %ge3A_366 : i32
      %convert_element_type3A_368 = arith.extui %ge3A_367 : i1 to i32
      %cond3A_369 = arith.constant 0 : i32
      %cond3A_370 = arith.cmpi ne, %convert_element_type3A_368, %cond3A_369 : i32
      scf.if %cond3A_370 {
        %mul3A_622 = arith.constant 8 : i32
        %mul3A_623 = arith.muli %add3A_349, %mul3A_622 : i32
        %add3A_624 = arith.addi %mul3A_2, %mul3A_623 : i32
        %dma_wait3A_625 = arith.constant 1 : i32
        %dma_wait3A_626 = arith.constant 0 : i32
        %dma_wait3A_627 = arith.constant 0 : i32
        %dma_wait3A_628 = arith.constant 0 : i32
        %dma_wait3A_629 = tpu.memref_slice %arg6[%dma_wait3A_625, %dma_wait3A_626, %dma_wait3A_627, %dma_wait3A_628] : memref<2x8x56x128xf32, #tpu.memory_space<vmem>> -> memref<1x8x56x64xf32, #tpu.memory_space<vmem>>
        %dma_wait3A_630 = tpu.memref_squeeze %dma_wait3A_629 : memref<1x8x56x64xf32, #tpu.memory_space<vmem>> -> memref<8x56x64xf32, #tpu.memory_space<vmem>>
        %dma_wait3A_631 = arith.constant 0 : i32
        %dma_wait3A_632 = arith.constant 0 : i32
        %dma_wait3A_633 = tpu.memref_slice %arg4[%add3A_624, %dma_wait3A_631, %dma_wait3A_632] : memref<16384x56x128xf32, #tpu.memory_space<hbm>> -> memref<8x56x64xf32, #tpu.memory_space<hbm>>
        %dma_wait3A_634 = arith.constant 0 : i32
        %dma_wait3A_635 = arith.constant 0 : i32
        %dma_wait3A_636 = tpu.memref_slice %arg4[%add3A_624, %dma_wait3A_634, %dma_wait3A_635] : memref<16384x56x128xf32, #tpu.memory_space<hbm>> -> memref<8x56x64xf32, #tpu.memory_space<hbm>>
        %dma_wait3A_637 = arith.constant 0 : i32
        %dma_wait3A_638 = arith.constant 0 : i32
        %dma_wait3A_639 = arith.constant 0 : i32
        %dma_wait3A_640 = tpu.memref_slice %arg6[%dma_wait3A_625, %dma_wait3A_637, %dma_wait3A_638, %dma_wait3A_639] : memref<2x8x56x128xf32, #tpu.memory_space<vmem>> -> memref<1x8x56x64xf32, #tpu.memory_space<vmem>>
        %dma_wait3A_641 = tpu.memref_squeeze %dma_wait3A_640 : memref<1x8x56x64xf32, #tpu.memory_space<vmem>> -> memref<8x56x64xf32, #tpu.memory_space<vmem>>
        tpu.wait_dma2 semaphore(%arg12 : memref<!tpu.dma_semaphore, #tpu.memory_space<semaphore_mem>>) src(%dma_wait3A_641 : memref<8x56x64xf32, #tpu.memory_space<vmem>>) dst(%dma_wait3A_636 : memref<8x56x64xf32, #tpu.memory_space<hbm>>)
      } else {
      }
      %dma_start3A_371 = arith.constant 1 : i32
      %dma_start3A_372 = arith.constant 0 : i32
      %dma_start3A_373 = arith.constant 1 : i32
      %dma_start3A_374 = arith.constant 0 : i32
      %dma_start3A_375 = arith.constant 0 : i32
      %dma_start3A_376 = arith.constant 0 : i32
      %dma_start3A_377 = tpu.memref_slice %arg6[%dma_start3A_373, %dma_start3A_374, %dma_start3A_375, %dma_start3A_376] : memref<2x8x56x128xf32, #tpu.memory_space<vmem>> -> memref<1x1x56x128xf32, #tpu.memory_space<vmem>>
      %dma_start3A_378 = tpu.memref_squeeze %dma_start3A_377 : memref<1x1x56x128xf32, #tpu.memory_space<vmem>> -> memref<56x128xf32, #tpu.memory_space<vmem>>
      %dma_start3A_379 = arith.constant 0 : i32
      %dma_start3A_380 = tpu.memref_slice %arg5[%dma_start3A_371, %dma_start3A_372, %dma_start3A_379] : memref<2x8x128xi32, #tpu.memory_space<vmem>> -> memref<1x1x56xi32, #tpu.memory_space<vmem>>
      %dma_start3A_381 = tpu.memref_squeeze %dma_start3A_380 : memref<1x1x56xi32, #tpu.memory_space<vmem>> -> memref<56xi32, #tpu.memory_space<vmem>>
      %dma_start3A_382 = arith.constant 0 : i32
      %dma_start3A_383 = arith.constant 0 : i32
      %dma_start3A_384 = tpu.memref_slice %arg3[%dma_start3A_382, %dma_start3A_383] : memref<1000000x128xf32, #tpu.memory_space<hbm>> -> memref<1000000x128xf32, #tpu.memory_space<hbm>>
      tpu.enqueue_indirect_dma source(%dma_start3A_384 : memref<1000000x128xf32, #tpu.memory_space<hbm>>) target(%dma_start3A_378 : memref<56x128xf32, #tpu.memory_space<vmem>>) offsets(%dma_start3A_381 : memref<56xi32, #tpu.memory_space<vmem>>) semaphore(%arg10 : memref<!tpu.dma_semaphore, #tpu.memory_space<semaphore_mem>>)
      %dma_start3A_385 = arith.constant 1 : i32
      %dma_start3A_386 = arith.constant 1 : i32
      %dma_start3A_387 = arith.constant 1 : i32
      %dma_start3A_388 = arith.constant 1 : i32
      %dma_start3A_389 = arith.constant 0 : i32
      %dma_start3A_390 = arith.constant 0 : i32
      %dma_start3A_391 = tpu.memref_slice %arg6[%dma_start3A_387, %dma_start3A_388, %dma_start3A_389, %dma_start3A_390] : memref<2x8x56x128xf32, #tpu.memory_space<vmem>> -> memref<1x1x56x128xf32, #tpu.memory_space<vmem>>
      %dma_start3A_392 = tpu.memref_squeeze %dma_start3A_391 : memref<1x1x56x128xf32, #tpu.memory_space<vmem>> -> memref<56x128xf32, #tpu.memory_space<vmem>>
      %dma_start3A_393 = arith.constant 0 : i32
      %dma_start3A_394 = tpu.memref_slice %arg5[%dma_start3A_385, %dma_start3A_386, %dma_start3A_393] : memref<2x8x128xi32, #tpu.memory_space<vmem>> -> memref<1x1x56xi32, #tpu.memory_space<vmem>>
      %dma_start3A_395 = tpu.memref_squeeze %dma_start3A_394 : memref<1x1x56xi32, #tpu.memory_space<vmem>> -> memref<56xi32, #tpu.memory_space<vmem>>
      %dma_start3A_396 = arith.constant 0 : i32
      %dma_start3A_397 = arith.constant 0 : i32
      %dma_start3A_398 = tpu.memref_slice %arg3[%dma_start3A_396, %dma_start3A_397] : memref<1000000x128xf32, #tpu.memory_space<hbm>> -> memref<1000000x128xf32, #tpu.memory_space<hbm>>
      tpu.enqueue_indirect_dma source(%dma_start3A_398 : memref<1000000x128xf32, #tpu.memory_space<hbm>>) target(%dma_start3A_392 : memref<56x128xf32, #tpu.memory_space<vmem>>) offsets(%dma_start3A_395 : memref<56xi32, #tpu.memory_space<vmem>>) semaphore(%arg10 : memref<!tpu.dma_semaphore, #tpu.memory_space<semaphore_mem>>)
      %dma_start3A_399 = arith.constant 1 : i32
      %dma_start3A_400 = arith.constant 2 : i32
      %dma_start3A_401 = arith.constant 1 : i32
      %dma_start3A_402 = arith.constant 2 : i32
      %dma_start3A_403 = arith.constant 0 : i32
      %dma_start3A_404 = arith.constant 0 : i32
      %dma_start3A_405 = tpu.memref_slice %arg6[%dma_start3A_401, %dma_start3A_402, %dma_start3A_403, %dma_start3A_404] : memref<2x8x56x128xf32, #tpu.memory_space<vmem>> -> memref<1x1x56x128xf32, #tpu.memory_space<vmem>>
      %dma_start3A_406 = tpu.memref_squeeze %dma_start3A_405 : memref<1x1x56x128xf32, #tpu.memory_space<vmem>> -> memref<56x128xf32, #tpu.memory_space<vmem>>
      %dma_start3A_407 = arith.constant 0 : i32
      %dma_start3A_408 = tpu.memref_slice %arg5[%dma_start3A_399, %dma_start3A_400, %dma_start3A_407] : memref<2x8x128xi32, #tpu.memory_space<vmem>> -> memref<1x1x56xi32, #tpu.memory_space<vmem>>
      %dma_start3A_409 = tpu.memref_squeeze %dma_start3A_408 : memref<1x1x56xi32, #tpu.memory_space<vmem>> -> memref<56xi32, #tpu.memory_space<vmem>>
      %dma_start3A_410 = arith.constant 0 : i32
      %dma_start3A_411 = arith.constant 0 : i32
      %dma_start3A_412 = tpu.memref_slice %arg3[%dma_start3A_410, %dma_start3A_411] : memref<1000000x128xf32, #tpu.memory_space<hbm>> -> memref<1000000x128xf32, #tpu.memory_space<hbm>>
      tpu.enqueue_indirect_dma source(%dma_start3A_412 : memref<1000000x128xf32, #tpu.memory_space<hbm>>) target(%dma_start3A_406 : memref<56x128xf32, #tpu.memory_space<vmem>>) offsets(%dma_start3A_409 : memref<56xi32, #tpu.memory_space<vmem>>) semaphore(%arg10 : memref<!tpu.dma_semaphore, #tpu.memory_space<semaphore_mem>>)
      %dma_start3A_413 = arith.constant 1 : i32
      %dma_start3A_414 = arith.constant 3 : i32
      %dma_start3A_415 = arith.constant 1 : i32
      %dma_start3A_416 = arith.constant 3 : i32
      %dma_start3A_417 = arith.constant 0 : i32
      %dma_start3A_418 = arith.constant 0 : i32
      %dma_start3A_419 = tpu.memref_slice %arg6[%dma_start3A_415, %dma_start3A_416, %dma_start3A_417, %dma_start3A_418] : memref<2x8x56x128xf32, #tpu.memory_space<vmem>> -> memref<1x1x56x128xf32, #tpu.memory_space<vmem>>
      %dma_start3A_420 = tpu.memref_squeeze %dma_start3A_419 : memref<1x1x56x128xf32, #tpu.memory_space<vmem>> -> memref<56x128xf32, #tpu.memory_space<vmem>>
      %dma_start3A_421 = arith.constant 0 : i32
      %dma_start3A_422 = tpu.memref_slice %arg5[%dma_start3A_413, %dma_start3A_414, %dma_start3A_421] : memref<2x8x128xi32, #tpu.memory_space<vmem>> -> memref<1x1x56xi32, #tpu.memory_space<vmem>>
      %dma_start3A_423 = tpu.memref_squeeze %dma_start3A_422 : memref<1x1x56xi32, #tpu.memory_space<vmem>> -> memref<56xi32, #tpu.memory_space<vmem>>
      %dma_start3A_424 = arith.constant 0 : i32
      %dma_start3A_425 = arith.constant 0 : i32
      %dma_start3A_426 = tpu.memref_slice %arg3[%dma_start3A_424, %dma_start3A_425] : memref<1000000x128xf32, #tpu.memory_space<hbm>> -> memref<1000000x128xf32, #tpu.memory_space<hbm>>
      tpu.enqueue_indirect_dma source(%dma_start3A_426 : memref<1000000x128xf32, #tpu.memory_space<hbm>>) target(%dma_start3A_420 : memref<56x128xf32, #tpu.memory_space<vmem>>) offsets(%dma_start3A_423 : memref<56xi32, #tpu.memory_space<vmem>>) semaphore(%arg10 : memref<!tpu.dma_semaphore, #tpu.memory_space<semaphore_mem>>)
      %dma_start3A_427 = arith.constant 1 : i32
      %dma_start3A_428 = arith.constant 4 : i32
      %dma_start3A_429 = arith.constant 1 : i32
      %dma_start3A_430 = arith.constant 4 : i32
      %dma_start3A_431 = arith.constant 0 : i32
      %dma_start3A_432 = arith.constant 0 : i32
      %dma_start3A_433 = tpu.memref_slice %arg6[%dma_start3A_429, %dma_start3A_430, %dma_start3A_431, %dma_start3A_432] : memref<2x8x56x128xf32, #tpu.memory_space<vmem>> -> memref<1x1x56x128xf32, #tpu.memory_space<vmem>>
      %dma_start3A_434 = tpu.memref_squeeze %dma_start3A_433 : memref<1x1x56x128xf32, #tpu.memory_space<vmem>> -> memref<56x128xf32, #tpu.memory_space<vmem>>
      %dma_start3A_435 = arith.constant 0 : i32
      %dma_start3A_436 = tpu.memref_slice %arg5[%dma_start3A_427, %dma_start3A_428, %dma_start3A_435] : memref<2x8x128xi32, #tpu.memory_space<vmem>> -> memref<1x1x56xi32, #tpu.memory_space<vmem>>
      %dma_start3A_437 = tpu.memref_squeeze %dma_start3A_436 : memref<1x1x56xi32, #tpu.memory_space<vmem>> -> memref<56xi32, #tpu.memory_space<vmem>>
      %dma_start3A_438 = arith.constant 0 : i32
      %dma_start3A_439 = arith.constant 0 : i32
      %dma_start3A_440 = tpu.memref_slice %arg3[%dma_start3A_438, %dma_start3A_439] : memref<1000000x128xf32, #tpu.memory_space<hbm>> -> memref<1000000x128xf32, #tpu.memory_space<hbm>>
      tpu.enqueue_indirect_dma source(%dma_start3A_440 : memref<1000000x128xf32, #tpu.memory_space<hbm>>) target(%dma_start3A_434 : memref<56x128xf32, #tpu.memory_space<vmem>>) offsets(%dma_start3A_437 : memref<56xi32, #tpu.memory_space<vmem>>) semaphore(%arg10 : memref<!tpu.dma_semaphore, #tpu.memory_space<semaphore_mem>>)
      %dma_start3A_441 = arith.constant 1 : i32
      %dma_start3A_442 = arith.constant 5 : i32
      %dma_start3A_443 = arith.constant 1 : i32
      %dma_start3A_444 = arith.constant 5 : i32
      %dma_start3A_445 = arith.constant 0 : i32
      %dma_start3A_446 = arith.constant 0 : i32
      %dma_start3A_447 = tpu.memref_slice %arg6[%dma_start3A_443, %dma_start3A_444, %dma_start3A_445, %dma_start3A_446] : memref<2x8x56x128xf32, #tpu.memory_space<vmem>> -> memref<1x1x56x128xf32, #tpu.memory_space<vmem>>
      %dma_start3A_448 = tpu.memref_squeeze %dma_start3A_447 : memref<1x1x56x128xf32, #tpu.memory_space<vmem>> -> memref<56x128xf32, #tpu.memory_space<vmem>>
      %dma_start3A_449 = arith.constant 0 : i32
      %dma_start3A_450 = tpu.memref_slice %arg5[%dma_start3A_441, %dma_start3A_442, %dma_start3A_449] : memref<2x8x128xi32, #tpu.memory_space<vmem>> -> memref<1x1x56xi32, #tpu.memory_space<vmem>>
      %dma_start3A_451 = tpu.memref_squeeze %dma_start3A_450 : memref<1x1x56xi32, #tpu.memory_space<vmem>> -> memref<56xi32, #tpu.memory_space<vmem>>
      %dma_start3A_452 = arith.constant 0 : i32
      %dma_start3A_453 = arith.constant 0 : i32
      %dma_start3A_454 = tpu.memref_slice %arg3[%dma_start3A_452, %dma_start3A_453] : memref<1000000x128xf32, #tpu.memory_space<hbm>> -> memref<1000000x128xf32, #tpu.memory_space<hbm>>
      tpu.enqueue_indirect_dma source(%dma_start3A_454 : memref<1000000x128xf32, #tpu.memory_space<hbm>>) target(%dma_start3A_448 : memref<56x128xf32, #tpu.memory_space<vmem>>) offsets(%dma_start3A_451 : memref<56xi32, #tpu.memory_space<vmem>>) semaphore(%arg10 : memref<!tpu.dma_semaphore, #tpu.memory_space<semaphore_mem>>)
      %dma_start3A_455 = arith.constant 1 : i32
      %dma_start3A_456 = arith.constant 6 : i32
      %dma_start3A_457 = arith.constant 1 : i32
      %dma_start3A_458 = arith.constant 6 : i32
      %dma_start3A_459 = arith.constant 0 : i32
      %dma_start3A_460 = arith.constant 0 : i32
      %dma_start3A_461 = tpu.memref_slice %arg6[%dma_start3A_457, %dma_start3A_458, %dma_start3A_459, %dma_start3A_460] : memref<2x8x56x128xf32, #tpu.memory_space<vmem>> -> memref<1x1x56x128xf32, #tpu.memory_space<vmem>>
      %dma_start3A_462 = tpu.memref_squeeze %dma_start3A_461 : memref<1x1x56x128xf32, #tpu.memory_space<vmem>> -> memref<56x128xf32, #tpu.memory_space<vmem>>
      %dma_start3A_463 = arith.constant 0 : i32
      %dma_start3A_464 = tpu.memref_slice %arg5[%dma_start3A_455, %dma_start3A_456, %dma_start3A_463] : memref<2x8x128xi32, #tpu.memory_space<vmem>> -> memref<1x1x56xi32, #tpu.memory_space<vmem>>
      %dma_start3A_465 = tpu.memref_squeeze %dma_start3A_464 : memref<1x1x56xi32, #tpu.memory_space<vmem>> -> memref<56xi32, #tpu.memory_space<vmem>>
      %dma_start3A_466 = arith.constant 0 : i32
      %dma_start3A_467 = arith.constant 0 : i32
      %dma_start3A_468 = tpu.memref_slice %arg3[%dma_start3A_466, %dma_start3A_467] : memref<1000000x128xf32, #tpu.memory_space<hbm>> -> memref<1000000x128xf32, #tpu.memory_space<hbm>>
      tpu.enqueue_indirect_dma source(%dma_start3A_468 : memref<1000000x128xf32, #tpu.memory_space<hbm>>) target(%dma_start3A_462 : memref<56x128xf32, #tpu.memory_space<vmem>>) offsets(%dma_start3A_465 : memref<56xi32, #tpu.memory_space<vmem>>) semaphore(%arg10 : memref<!tpu.dma_semaphore, #tpu.memory_space<semaphore_mem>>)
      %dma_start3A_469 = arith.constant 1 : i32
      %dma_start3A_470 = arith.constant 7 : i32
      %dma_start3A_471 = arith.constant 1 : i32
      %dma_start3A_472 = arith.constant 7 : i32
      %dma_start3A_473 = arith.constant 0 : i32
      %dma_start3A_474 = arith.constant 0 : i32
      %dma_start3A_475 = tpu.memref_slice %arg6[%dma_start3A_471, %dma_start3A_472, %dma_start3A_473, %dma_start3A_474] : memref<2x8x56x128xf32, #tpu.memory_space<vmem>> -> memref<1x1x56x128xf32, #tpu.memory_space<vmem>>
      %dma_start3A_476 = tpu.memref_squeeze %dma_start3A_475 : memref<1x1x56x128xf32, #tpu.memory_space<vmem>> -> memref<56x128xf32, #tpu.memory_space<vmem>>
      %dma_start3A_477 = arith.constant 0 : i32
      %dma_start3A_478 = tpu.memref_slice %arg5[%dma_start3A_469, %dma_start3A_470, %dma_start3A_477] : memref<2x8x128xi32, #tpu.memory_space<vmem>> -> memref<1x1x56xi32, #tpu.memory_space<vmem>>
      %dma_start3A_479 = tpu.memref_squeeze %dma_start3A_478 : memref<1x1x56xi32, #tpu.memory_space<vmem>> -> memref<56xi32, #tpu.memory_space<vmem>>
      %dma_start3A_480 = arith.constant 0 : i32
      %dma_start3A_481 = arith.constant 0 : i32
      %dma_start3A_482 = tpu.memref_slice %arg3[%dma_start3A_480, %dma_start3A_481] : memref<1000000x128xf32, #tpu.memory_space<hbm>> -> memref<1000000x128xf32, #tpu.memory_space<hbm>>
      tpu.enqueue_indirect_dma source(%dma_start3A_482 : memref<1000000x128xf32, #tpu.memory_space<hbm>>) target(%dma_start3A_476 : memref<56x128xf32, #tpu.memory_space<vmem>>) offsets(%dma_start3A_479 : memref<56xi32, #tpu.memory_space<vmem>>) semaphore(%arg10 : memref<!tpu.dma_semaphore, #tpu.memory_space<semaphore_mem>>)
      %dma_wait3A_483 = arith.constant 1 : i32
      %dma_wait3A_484 = arith.constant 0 : i32
      %dma_wait3A_485 = arith.constant 1 : i32
      %dma_wait3A_486 = arith.constant 0 : i32
      %dma_wait3A_487 = arith.constant 0 : i32
      %dma_wait3A_488 = arith.constant 0 : i32
      %dma_wait3A_489 = tpu.memref_slice %arg6[%dma_wait3A_485, %dma_wait3A_486, %dma_wait3A_487, %dma_wait3A_488] : memref<2x8x56x128xf32, #tpu.memory_space<vmem>> -> memref<1x1x56x128xf32, #tpu.memory_space<vmem>>
      %dma_wait3A_490 = tpu.memref_squeeze %dma_wait3A_489 : memref<1x1x56x128xf32, #tpu.memory_space<vmem>> -> memref<56x128xf32, #tpu.memory_space<vmem>>
      %dma_wait3A_491 = arith.constant 0 : i32
      %dma_wait3A_492 = tpu.memref_slice %arg5[%dma_wait3A_483, %dma_wait3A_484, %dma_wait3A_491] : memref<2x8x128xi32, #tpu.memory_space<vmem>> -> memref<1x1x56xi32, #tpu.memory_space<vmem>>
      %dma_wait3A_493 = tpu.memref_squeeze %dma_wait3A_492 : memref<1x1x56xi32, #tpu.memory_space<vmem>> -> memref<56xi32, #tpu.memory_space<vmem>>
      %dma_wait3A_494 = arith.constant 0 : i32
      %dma_wait3A_495 = arith.constant 0 : i32
      %dma_wait3A_496 = tpu.memref_slice %arg3[%dma_wait3A_494, %dma_wait3A_495] : memref<1000000x128xf32, #tpu.memory_space<hbm>> -> memref<1000000x128xf32, #tpu.memory_space<hbm>>
      tpu.wait_indirect_dma semaphore(%arg10 : memref<!tpu.dma_semaphore, #tpu.memory_space<semaphore_mem>>) src(%dma_wait3A_496 : memref<1000000x128xf32, #tpu.memory_space<hbm>>) dst(%dma_wait3A_490 : memref<56x128xf32, #tpu.memory_space<vmem>>)
      %dma_wait3A_497 = arith.constant 1 : i32
      %dma_wait3A_498 = arith.constant 1 : i32
      %dma_wait3A_499 = arith.constant 1 : i32
      %dma_wait3A_500 = arith.constant 1 : i32
      %dma_wait3A_501 = arith.constant 0 : i32
      %dma_wait3A_502 = arith.constant 0 : i32
      %dma_wait3A_503 = tpu.memref_slice %arg6[%dma_wait3A_499, %dma_wait3A_500, %dma_wait3A_501, %dma_wait3A_502] : memref<2x8x56x128xf32, #tpu.memory_space<vmem>> -> memref<1x1x56x128xf32, #tpu.memory_space<vmem>>
      %dma_wait3A_504 = tpu.memref_squeeze %dma_wait3A_503 : memref<1x1x56x128xf32, #tpu.memory_space<vmem>> -> memref<56x128xf32, #tpu.memory_space<vmem>>
      %dma_wait3A_505 = arith.constant 0 : i32
      %dma_wait3A_506 = tpu.memref_slice %arg5[%dma_wait3A_497, %dma_wait3A_498, %dma_wait3A_505] : memref<2x8x128xi32, #tpu.memory_space<vmem>> -> memref<1x1x56xi32, #tpu.memory_space<vmem>>
      %dma_wait3A_507 = tpu.memref_squeeze %dma_wait3A_506 : memref<1x1x56xi32, #tpu.memory_space<vmem>> -> memref<56xi32, #tpu.memory_space<vmem>>
      %dma_wait3A_508 = arith.constant 0 : i32
      %dma_wait3A_509 = arith.constant 0 : i32
      %dma_wait3A_510 = tpu.memref_slice %arg3[%dma_wait3A_508, %dma_wait3A_509] : memref<1000000x128xf32, #tpu.memory_space<hbm>> -> memref<1000000x128xf32, #tpu.memory_space<hbm>>
      tpu.wait_indirect_dma semaphore(%arg10 : memref<!tpu.dma_semaphore, #tpu.memory_space<semaphore_mem>>) src(%dma_wait3A_510 : memref<1000000x128xf32, #tpu.memory_space<hbm>>) dst(%dma_wait3A_504 : memref<56x128xf32, #tpu.memory_space<vmem>>)
      %dma_wait3A_511 = arith.constant 1 : i32
      %dma_wait3A_512 = arith.constant 2 : i32
      %dma_wait3A_513 = arith.constant 1 : i32
      %dma_wait3A_514 = arith.constant 2 : i32
      %dma_wait3A_515 = arith.constant 0 : i32
      %dma_wait3A_516 = arith.constant 0 : i32
      %dma_wait3A_517 = tpu.memref_slice %arg6[%dma_wait3A_513, %dma_wait3A_514, %dma_wait3A_515, %dma_wait3A_516] : memref<2x8x56x128xf32, #tpu.memory_space<vmem>> -> memref<1x1x56x128xf32, #tpu.memory_space<vmem>>
      %dma_wait3A_518 = tpu.memref_squeeze %dma_wait3A_517 : memref<1x1x56x128xf32, #tpu.memory_space<vmem>> -> memref<56x128xf32, #tpu.memory_space<vmem>>
      %dma_wait3A_519 = arith.constant 0 : i32
      %dma_wait3A_520 = tpu.memref_slice %arg5[%dma_wait3A_511, %dma_wait3A_512, %dma_wait3A_519] : memref<2x8x128xi32, #tpu.memory_space<vmem>> -> memref<1x1x56xi32, #tpu.memory_space<vmem>>
      %dma_wait3A_521 = tpu.memref_squeeze %dma_wait3A_520 : memref<1x1x56xi32, #tpu.memory_space<vmem>> -> memref<56xi32, #tpu.memory_space<vmem>>
      %dma_wait3A_522 = arith.constant 0 : i32
      %dma_wait3A_523 = arith.constant 0 : i32
      %dma_wait3A_524 = tpu.memref_slice %arg3[%dma_wait3A_522, %dma_wait3A_523] : memref<1000000x128xf32, #tpu.memory_space<hbm>> -> memref<1000000x128xf32, #tpu.memory_space<hbm>>
      tpu.wait_indirect_dma semaphore(%arg10 : memref<!tpu.dma_semaphore, #tpu.memory_space<semaphore_mem>>) src(%dma_wait3A_524 : memref<1000000x128xf32, #tpu.memory_space<hbm>>) dst(%dma_wait3A_518 : memref<56x128xf32, #tpu.memory_space<vmem>>)
      %dma_wait3A_525 = arith.constant 1 : i32
      %dma_wait3A_526 = arith.constant 3 : i32
      %dma_wait3A_527 = arith.constant 1 : i32
      %dma_wait3A_528 = arith.constant 3 : i32
      %dma_wait3A_529 = arith.constant 0 : i32
      %dma_wait3A_530 = arith.constant 0 : i32
      %dma_wait3A_531 = tpu.memref_slice %arg6[%dma_wait3A_527, %dma_wait3A_528, %dma_wait3A_529, %dma_wait3A_530] : memref<2x8x56x128xf32, #tpu.memory_space<vmem>> -> memref<1x1x56x128xf32, #tpu.memory_space<vmem>>
      %dma_wait3A_532 = tpu.memref_squeeze %dma_wait3A_531 : memref<1x1x56x128xf32, #tpu.memory_space<vmem>> -> memref<56x128xf32, #tpu.memory_space<vmem>>
      %dma_wait3A_533 = arith.constant 0 : i32
      %dma_wait3A_534 = tpu.memref_slice %arg5[%dma_wait3A_525, %dma_wait3A_526, %dma_wait3A_533] : memref<2x8x128xi32, #tpu.memory_space<vmem>> -> memref<1x1x56xi32, #tpu.memory_space<vmem>>
      %dma_wait3A_535 = tpu.memref_squeeze %dma_wait3A_534 : memref<1x1x56xi32, #tpu.memory_space<vmem>> -> memref<56xi32, #tpu.memory_space<vmem>>
      %dma_wait3A_536 = arith.constant 0 : i32
      %dma_wait3A_537 = arith.constant 0 : i32
      %dma_wait3A_538 = tpu.memref_slice %arg3[%dma_wait3A_536, %dma_wait3A_537] : memref<1000000x128xf32, #tpu.memory_space<hbm>> -> memref<1000000x128xf32, #tpu.memory_space<hbm>>
      tpu.wait_indirect_dma semaphore(%arg10 : memref<!tpu.dma_semaphore, #tpu.memory_space<semaphore_mem>>) src(%dma_wait3A_538 : memref<1000000x128xf32, #tpu.memory_space<hbm>>) dst(%dma_wait3A_532 : memref<56x128xf32, #tpu.memory_space<vmem>>)
      %dma_wait3A_539 = arith.constant 1 : i32
      %dma_wait3A_540 = arith.constant 4 : i32
      %dma_wait3A_541 = arith.constant 1 : i32
      %dma_wait3A_542 = arith.constant 4 : i32
      %dma_wait3A_543 = arith.constant 0 : i32
      %dma_wait3A_544 = arith.constant 0 : i32
      %dma_wait3A_545 = tpu.memref_slice %arg6[%dma_wait3A_541, %dma_wait3A_542, %dma_wait3A_543, %dma_wait3A_544] : memref<2x8x56x128xf32, #tpu.memory_space<vmem>> -> memref<1x1x56x128xf32, #tpu.memory_space<vmem>>
      %dma_wait3A_546 = tpu.memref_squeeze %dma_wait3A_545 : memref<1x1x56x128xf32, #tpu.memory_space<vmem>> -> memref<56x128xf32, #tpu.memory_space<vmem>>
      %dma_wait3A_547 = arith.constant 0 : i32
      %dma_wait3A_548 = tpu.memref_slice %arg5[%dma_wait3A_539, %dma_wait3A_540, %dma_wait3A_547] : memref<2x8x128xi32, #tpu.memory_space<vmem>> -> memref<1x1x56xi32, #tpu.memory_space<vmem>>
      %dma_wait3A_549 = tpu.memref_squeeze %dma_wait3A_548 : memref<1x1x56xi32, #tpu.memory_space<vmem>> -> memref<56xi32, #tpu.memory_space<vmem>>
      %dma_wait3A_550 = arith.constant 0 : i32
      %dma_wait3A_551 = arith.constant 0 : i32
      %dma_wait3A_552 = tpu.memref_slice %arg3[%dma_wait3A_550, %dma_wait3A_551] : memref<1000000x128xf32, #tpu.memory_space<hbm>> -> memref<1000000x128xf32, #tpu.memory_space<hbm>>
      tpu.wait_indirect_dma semaphore(%arg10 : memref<!tpu.dma_semaphore, #tpu.memory_space<semaphore_mem>>) src(%dma_wait3A_552 : memref<1000000x128xf32, #tpu.memory_space<hbm>>) dst(%dma_wait3A_546 : memref<56x128xf32, #tpu.memory_space<vmem>>)
      %dma_wait3A_553 = arith.constant 1 : i32
      %dma_wait3A_554 = arith.constant 5 : i32
      %dma_wait3A_555 = arith.constant 1 : i32
      %dma_wait3A_556 = arith.constant 5 : i32
      %dma_wait3A_557 = arith.constant 0 : i32
      %dma_wait3A_558 = arith.constant 0 : i32
      %dma_wait3A_559 = tpu.memref_slice %arg6[%dma_wait3A_555, %dma_wait3A_556, %dma_wait3A_557, %dma_wait3A_558] : memref<2x8x56x128xf32, #tpu.memory_space<vmem>> -> memref<1x1x56x128xf32, #tpu.memory_space<vmem>>
      %dma_wait3A_560 = tpu.memref_squeeze %dma_wait3A_559 : memref<1x1x56x128xf32, #tpu.memory_space<vmem>> -> memref<56x128xf32, #tpu.memory_space<vmem>>
      %dma_wait3A_561 = arith.constant 0 : i32
      %dma_wait3A_562 = tpu.memref_slice %arg5[%dma_wait3A_553, %dma_wait3A_554, %dma_wait3A_561] : memref<2x8x128xi32, #tpu.memory_space<vmem>> -> memref<1x1x56xi32, #tpu.memory_space<vmem>>
      %dma_wait3A_563 = tpu.memref_squeeze %dma_wait3A_562 : memref<1x1x56xi32, #tpu.memory_space<vmem>> -> memref<56xi32, #tpu.memory_space<vmem>>
      %dma_wait3A_564 = arith.constant 0 : i32
      %dma_wait3A_565 = arith.constant 0 : i32
      %dma_wait3A_566 = tpu.memref_slice %arg3[%dma_wait3A_564, %dma_wait3A_565] : memref<1000000x128xf32, #tpu.memory_space<hbm>> -> memref<1000000x128xf32, #tpu.memory_space<hbm>>
      tpu.wait_indirect_dma semaphore(%arg10 : memref<!tpu.dma_semaphore, #tpu.memory_space<semaphore_mem>>) src(%dma_wait3A_566 : memref<1000000x128xf32, #tpu.memory_space<hbm>>) dst(%dma_wait3A_560 : memref<56x128xf32, #tpu.memory_space<vmem>>)
      %dma_wait3A_567 = arith.constant 1 : i32
      %dma_wait3A_568 = arith.constant 6 : i32
      %dma_wait3A_569 = arith.constant 1 : i32
      %dma_wait3A_570 = arith.constant 6 : i32
      %dma_wait3A_571 = arith.constant 0 : i32
      %dma_wait3A_572 = arith.constant 0 : i32
      %dma_wait3A_573 = tpu.memref_slice %arg6[%dma_wait3A_569, %dma_wait3A_570, %dma_wait3A_571, %dma_wait3A_572] : memref<2x8x56x128xf32, #tpu.memory_space<vmem>> -> memref<1x1x56x128xf32, #tpu.memory_space<vmem>>
      %dma_wait3A_574 = tpu.memref_squeeze %dma_wait3A_573 : memref<1x1x56x128xf32, #tpu.memory_space<vmem>> -> memref<56x128xf32, #tpu.memory_space<vmem>>
      %dma_wait3A_575 = arith.constant 0 : i32
      %dma_wait3A_576 = tpu.memref_slice %arg5[%dma_wait3A_567, %dma_wait3A_568, %dma_wait3A_575] : memref<2x8x128xi32, #tpu.memory_space<vmem>> -> memref<1x1x56xi32, #tpu.memory_space<vmem>>
      %dma_wait3A_577 = tpu.memref_squeeze %dma_wait3A_576 : memref<1x1x56xi32, #tpu.memory_space<vmem>> -> memref<56xi32, #tpu.memory_space<vmem>>
      %dma_wait3A_578 = arith.constant 0 : i32
      %dma_wait3A_579 = arith.constant 0 : i32
      %dma_wait3A_580 = tpu.memref_slice %arg3[%dma_wait3A_578, %dma_wait3A_579] : memref<1000000x128xf32, #tpu.memory_space<hbm>> -> memref<1000000x128xf32, #tpu.memory_space<hbm>>
      tpu.wait_indirect_dma semaphore(%arg10 : memref<!tpu.dma_semaphore, #tpu.memory_space<semaphore_mem>>) src(%dma_wait3A_580 : memref<1000000x128xf32, #tpu.memory_space<hbm>>) dst(%dma_wait3A_574 : memref<56x128xf32, #tpu.memory_space<vmem>>)
      %dma_wait3A_581 = arith.constant 1 : i32
      %dma_wait3A_582 = arith.constant 7 : i32
      %dma_wait3A_583 = arith.constant 1 : i32
      %dma_wait3A_584 = arith.constant 7 : i32
      %dma_wait3A_585 = arith.constant 0 : i32
      %dma_wait3A_586 = arith.constant 0 : i32
      %dma_wait3A_587 = tpu.memref_slice %arg6[%dma_wait3A_583, %dma_wait3A_584, %dma_wait3A_585, %dma_wait3A_586] : memref<2x8x56x128xf32, #tpu.memory_space<vmem>> -> memref<1x1x56x128xf32, #tpu.memory_space<vmem>>
      %dma_wait3A_588 = tpu.memref_squeeze %dma_wait3A_587 : memref<1x1x56x128xf32, #tpu.memory_space<vmem>> -> memref<56x128xf32, #tpu.memory_space<vmem>>
      %dma_wait3A_589 = arith.constant 0 : i32
      %dma_wait3A_590 = tpu.memref_slice %arg5[%dma_wait3A_581, %dma_wait3A_582, %dma_wait3A_589] : memref<2x8x128xi32, #tpu.memory_space<vmem>> -> memref<1x1x56xi32, #tpu.memory_space<vmem>>
      %dma_wait3A_591 = tpu.memref_squeeze %dma_wait3A_590 : memref<1x1x56xi32, #tpu.memory_space<vmem>> -> memref<56xi32, #tpu.memory_space<vmem>>
      %dma_wait3A_592 = arith.constant 0 : i32
      %dma_wait3A_593 = arith.constant 0 : i32
      %dma_wait3A_594 = tpu.memref_slice %arg3[%dma_wait3A_592, %dma_wait3A_593] : memref<1000000x128xf32, #tpu.memory_space<hbm>> -> memref<1000000x128xf32, #tpu.memory_space<hbm>>
      tpu.wait_indirect_dma semaphore(%arg10 : memref<!tpu.dma_semaphore, #tpu.memory_space<semaphore_mem>>) src(%dma_wait3A_594 : memref<1000000x128xf32, #tpu.memory_space<hbm>>) dst(%dma_wait3A_588 : memref<56x128xf32, #tpu.memory_space<vmem>>)
      %add3A_595 = arith.constant 2 : i32
      %add3A_596 = arith.addi %add3A_349, %add3A_595 : i32
      %lt3A_597 = arith.constant 64 : i32
      %lt3A_598 = arith.cmpi slt, %add3A_596, %lt3A_597 : i32
      %convert_element_type3A_599 = arith.extui %lt3A_598 : i1 to i32
      %cond3A_600 = arith.constant 0 : i32
      %cond3A_601 = arith.cmpi ne, %convert_element_type3A_599, %cond3A_600 : i32
      scf.if %cond3A_601 {
        %add3A_622 = arith.constant 2 : i32
        %add3A_623 = arith.addi %add3A_349, %add3A_622 : i32
        %mul3A_624 = arith.constant 8 : i32
        %mul3A_625 = arith.muli %add3A_623, %mul3A_624 : i32
        %add3A_626 = arith.addi %mul3A_2, %mul3A_625 : i32
        %dma_start3A_627 = arith.constant 1 : i32
        %dma_start3A_628 = arith.constant 0 : i32
        %dma_start3A_629 = arith.constant 0 : i32
        %dma_start3A_630 = tpu.memref_slice %arg5[%dma_start3A_627, %dma_start3A_628, %dma_start3A_629] : memref<2x8x128xi32, #tpu.memory_space<vmem>> -> memref<1x8x128xi32, #tpu.memory_space<vmem>>
        %dma_start3A_631 = tpu.memref_squeeze %dma_start3A_630 : memref<1x8x128xi32, #tpu.memory_space<vmem>> -> memref<8x128xi32, #tpu.memory_space<vmem>>
        %dma_start3A_632 = arith.constant 0 : i32
        %dma_start3A_633 = tpu.memref_slice %arg2[%add3A_626, %dma_start3A_632] : memref<16384x128xi32, #tpu.memory_space<hbm>> -> memref<8x128xi32, #tpu.memory_space<hbm>>
        %dma_start3A_634 = arith.constant 0 : i32
        %dma_start3A_635 = arith.constant 0 : i32
        %dma_start3A_636 = tpu.memref_slice %arg5[%dma_start3A_627, %dma_start3A_634, %dma_start3A_635] : memref<2x8x128xi32, #tpu.memory_space<vmem>> -> memref<1x8x128xi32, #tpu.memory_space<vmem>>
        %dma_start3A_637 = tpu.memref_squeeze %dma_start3A_636 : memref<1x8x128xi32, #tpu.memory_space<vmem>> -> memref<8x128xi32, #tpu.memory_space<vmem>>
        %dma_start3A_638 = arith.constant 0 : i32
        %dma_start3A_639 = tpu.memref_slice %arg2[%add3A_626, %dma_start3A_638] : memref<16384x128xi32, #tpu.memory_space<hbm>> -> memref<8x128xi32, #tpu.memory_space<hbm>>
        tpu.enqueue_dma source(%dma_start3A_639 : memref<8x128xi32, #tpu.memory_space<hbm>>) target(%dma_start3A_637 : memref<8x128xi32, #tpu.memory_space<vmem>>) target_semaphore(%arg8 : memref<!tpu.dma_semaphore, #tpu.memory_space<semaphore_mem>>)
      } else {
      }
      %mul3A_602 = arith.constant 8 : i32
      %mul3A_603 = arith.muli %add3A_349, %mul3A_602 : i32
      %add3A_604 = arith.addi %mul3A_2, %mul3A_603 : i32
      %dma_start3A_605 = arith.constant 1 : i32
      %dma_start3A_606 = arith.constant 0 : i32
      %dma_start3A_607 = arith.constant 0 : i32
      %dma_start3A_608 = arith.constant 0 : i32
      %dma_start3A_609 = tpu.memref_slice %arg6[%dma_start3A_605, %dma_start3A_606, %dma_start3A_607, %dma_start3A_608] : memref<2x8x56x128xf32, #tpu.memory_space<vmem>> -> memref<1x8x56x64xf32, #tpu.memory_space<vmem>>
      %dma_start3A_610 = tpu.memref_squeeze %dma_start3A_609 : memref<1x8x56x64xf32, #tpu.memory_space<vmem>> -> memref<8x56x64xf32, #tpu.memory_space<vmem>>
      %dma_start3A_611 = arith.constant 0 : i32
      %dma_start3A_612 = arith.constant 0 : i32
      %dma_start3A_613 = tpu.memref_slice %arg4[%add3A_604, %dma_start3A_611, %dma_start3A_612] : memref<16384x56x128xf32, #tpu.memory_space<hbm>> -> memref<8x56x64xf32, #tpu.memory_space<hbm>>
      %dma_start3A_614 = arith.constant 0 : i32
      %dma_start3A_615 = arith.constant 0 : i32
      %dma_start3A_616 = tpu.memref_slice %arg4[%add3A_604, %dma_start3A_614, %dma_start3A_615] : memref<16384x56x128xf32, #tpu.memory_space<hbm>> -> memref<8x56x64xf32, #tpu.memory_space<hbm>>
      %dma_start3A_617 = arith.constant 0 : i32
      %dma_start3A_618 = arith.constant 0 : i32
      %dma_start3A_619 = arith.constant 0 : i32
      %dma_start3A_620 = tpu.memref_slice %arg6[%dma_start3A_605, %dma_start3A_617, %dma_start3A_618, %dma_start3A_619] : memref<2x8x56x128xf32, #tpu.memory_space<vmem>> -> memref<1x8x56x64xf32, #tpu.memory_space<vmem>>
      %dma_start3A_621 = tpu.memref_squeeze %dma_start3A_620 : memref<1x8x56x64xf32, #tpu.memory_space<vmem>> -> memref<8x56x64xf32, #tpu.memory_space<vmem>>
      tpu.enqueue_dma source(%dma_start3A_621 : memref<8x56x64xf32, #tpu.memory_space<vmem>>) target(%dma_start3A_616 : memref<8x56x64xf32, #tpu.memory_space<hbm>>) target_semaphore(%arg12 : memref<!tpu.dma_semaphore, #tpu.memory_space<semaphore_mem>>)
    }
    %scan3A_35 = arith.constant 32 : i32
    %add3A_36 = arith.constant 0 : i32
    %add3A_37 = arith.addi %mul3A_2, %add3A_36 : i32
    %dma_wait3A = arith.constant 0 : i32
    %dma_wait3A_38 = arith.constant 0 : i32
    %dma_wait3A_39 = arith.constant 0 : i32
    %dma_wait3A_40 = arith.constant 0 : i32
    %dma_wait3A_41 = tpu.memref_slice %arg6[%dma_wait3A, %dma_wait3A_38, %dma_wait3A_39, %dma_wait3A_40] : memref<2x8x56x128xf32, #tpu.memory_space<vmem>> -> memref<1x8x56x64xf32, #tpu.memory_space<vmem>>
    %dma_wait3A_42 = tpu.memref_squeeze %dma_wait3A_41 : memref<1x8x56x64xf32, #tpu.memory_space<vmem>> -> memref<8x56x64xf32, #tpu.memory_space<vmem>>
    %dma_wait3A_43 = arith.constant 0 : i32
    %dma_wait3A_44 = arith.constant 0 : i32
    %dma_wait3A_45 = tpu.memref_slice %arg4[%add3A_37, %dma_wait3A_43, %dma_wait3A_44] : memref<16384x56x128xf32, #tpu.memory_space<hbm>> -> memref<8x56x64xf32, #tpu.memory_space<hbm>>
    %dma_wait3A_46 = arith.constant 0 : i32
    %dma_wait3A_47 = arith.constant 0 : i32
    %dma_wait3A_48 = tpu.memref_slice %arg4[%add3A_37, %dma_wait3A_46, %dma_wait3A_47] : memref<16384x56x128xf32, #tpu.memory_space<hbm>> -> memref<8x56x64xf32, #tpu.memory_space<hbm>>
    %dma_wait3A_49 = arith.constant 0 : i32
    %dma_wait3A_50 = arith.constant 0 : i32
    %dma_wait3A_51 = arith.constant 0 : i32
    %dma_wait3A_52 = tpu.memref_slice %arg6[%dma_wait3A, %dma_wait3A_49, %dma_wait3A_50, %dma_wait3A_51] : memref<2x8x56x128xf32, #tpu.memory_space<vmem>> -> memref<1x8x56x64xf32, #tpu.memory_space<vmem>>
    %dma_wait3A_53 = tpu.memref_squeeze %dma_wait3A_52 : memref<1x8x56x64xf32, #tpu.memory_space<vmem>> -> memref<8x56x64xf32, #tpu.memory_space<vmem>>
    tpu.wait_dma2 semaphore(%arg11 : memref<!tpu.dma_semaphore, #tpu.memory_space<semaphore_mem>>) src(%dma_wait3A_53 : memref<8x56x64xf32, #tpu.memory_space<vmem>>) dst(%dma_wait3A_48 : memref<8x56x64xf32, #tpu.memory_space<hbm>>)
    %add3A_54 = arith.constant 8 : i32
    %add3A_55 = arith.addi %mul3A_2, %add3A_54 : i32
    %dma_wait3A_56 = arith.constant 1 : i32
    %dma_wait3A_57 = arith.constant 0 : i32
    %dma_wait3A_58 = arith.constant 0 : i32
    %dma_wait3A_59 = arith.constant 0 : i32
    %dma_wait3A_60 = tpu.memref_slice %arg6[%dma_wait3A_56, %dma_wait3A_57, %dma_wait3A_58, %dma_wait3A_59] : memref<2x8x56x128xf32, #tpu.memory_space<vmem>> -> memref<1x8x56x64xf32, #tpu.memory_space<vmem>>
    %dma_wait3A_61 = tpu.memref_squeeze %dma_wait3A_60 : memref<1x8x56x64xf32, #tpu.memory_space<vmem>> -> memref<8x56x64xf32, #tpu.memory_space<vmem>>
    %dma_wait3A_62 = arith.constant 0 : i32
    %dma_wait3A_63 = arith.constant 0 : i32
    %dma_wait3A_64 = tpu.memref_slice %arg4[%add3A_55, %dma_wait3A_62, %dma_wait3A_63] : memref<16384x56x128xf32, #tpu.memory_space<hbm>> -> memref<8x56x64xf32, #tpu.memory_space<hbm>>
    %dma_wait3A_65 = arith.constant 0 : i32
    %dma_wait3A_66 = arith.constant 0 : i32
    %dma_wait3A_67 = tpu.memref_slice %arg4[%add3A_55, %dma_wait3A_65, %dma_wait3A_66] : memref<16384x56x128xf32, #tpu.memory_space<hbm>> -> memref<8x56x64xf32, #tpu.memory_space<hbm>>
    %dma_wait3A_68 = arith.constant 0 : i32
    %dma_wait3A_69 = arith.constant 0 : i32
    %dma_wait3A_70 = arith.constant 0 : i32
    %dma_wait3A_71 = tpu.memref_slice %arg6[%dma_wait3A_56, %dma_wait3A_68, %dma_wait3A_69, %dma_wait3A_70] : memref<2x8x56x128xf32, #tpu.memory_space<vmem>> -> memref<1x8x56x64xf32, #tpu.memory_space<vmem>>
    %dma_wait3A_72 = tpu.memref_squeeze %dma_wait3A_71 : memref<1x8x56x64xf32, #tpu.memory_space<vmem>> -> memref<8x56x64xf32, #tpu.memory_space<vmem>>
    tpu.wait_dma2 semaphore(%arg12 : memref<!tpu.dma_semaphore, #tpu.memory_space<semaphore_mem>>) src(%dma_wait3A_72 : memref<8x56x64xf32, #tpu.memory_space<vmem>>) dst(%dma_wait3A_67 : memref<8x56x64xf32, #tpu.memory_space<hbm>>)
    return
  }
}

</mosaic_0001>

<sc_bundles>
// kernel: _embed.3.cloned.1.call-start
scs
__scs_entry_jumppad:
0x0: {  	(pc) =	sbr.rel $0x88, $3  }
0x1: {  	(tag) =	ssettag $0x0;
	lr =	simm.s32 $0x1  }
0x2: {  	[smem:$0x3F9F] =	sst lr;
	_ =	strace $0xD0000000  }
0x3: {  	_ = 	snop  }
0x4: {  	_ = 	snop  }
0x5: {  	_ = 	snop  }
0x6: {  	_ = 	snop  }
0x7: {  	_ = 	snop  }
__scs_overlays_trampoline_lowered:
0x8: {  	[smem:$0x3FAE] =	sst s0  }
0x9: {  	[smem:$0x3FAF] =	sst s1  }
0xa: {  	[smem:$0x3FB0] =	sst s2  }
0xb: {  	[smem:$0x3FB1] =	sst s3  }
0xc: {  	[smem:$0x3FB2] =	sst s4  }
0xd: {  	[smem:$0x3FB3] =	sst s5  }
0xe: {  	[smem:$0x3FB4] =	sst s6  }
0xf: {  	[smem:$0x3FB5] =	sst s7  }
0x10: {  	[smem:$0x3FB6] =	sst s8  }
0x11: {  	[smem:$0x3FB7] =	sst s9;
	s0 =	simm.s32 @!p0 $0x0  }
0x12: {  	s1 =	sld [smem:$0x3F9D];
	s0 =	simm.s32 @p0 $0x1  }
0x13: {  	[smem:$0x3FB8] =	sst s0;
	s0 =	simm.s32 @!p1 $0x0  }
0x14: {  	s2 =	sld [smem:$0x3F9C];
	s0 =	simm.s32 @p1 $0x1  }
0x15: {  	[smem:$0x3FB9] =	sst s0;
	s0 =	simm.s32 @!p2 $0x0  }
0x16: {  	s3 =	sld [smem:$0x3FDB];
	s0 =	simm.s32 @p2 $0x1  }
0x17: {  	s4 =	simm.s32 $0x1BF5;
	[smem:$0x3FBB] =	sst s0  }
0x18: {  	s0 =	sld [smem:$0x3F9E];
	_ =	swait.ge [sflag:s4], $0x0  }
0x19: {  	s7 =	sld [smem:$0x3F9F]  }
0x1a: {  	s8 =	sadd.s32 $0xFFFFE003, lr  }
0x1b: {  	s9 =	sadd.s32 $0xFFFFFEF7, lr;
	s5 =	simm.s32 $0xFFFFFFFF;
	p2 =	slt.u32 s8, $0xFFFFF086  }
0x1c: {  	p1 =	slt.u32 s9, $0xF7A;
	s5 =	simm.s32 @!p2 $0x0  }
0x1d: {  	s5 =	simm.s32 @p1 $0x1;
	p0 =	seq.s32 s7, s2  }
0x1e: {  	s7 =	smul.u32 @!p0 $0xF7A, s2;
	p2 =	seq.s32 @!p0 s5, $0x0  }
0x1f: {  	s9 =	smul.u32 $0xF7A, s1;
	s8 =	simm.s32 @!p0 $0x1BF5;
	p2 =	por !p2, p0  }
0x20: {  	[sflag:s8] =	ssyncset.s32 @!p0 $0xFFFFF086;
	s6 =	sadd.s32 @!p0 s3, s7;
	s7 =	simm.s32 @!p0 $0x108  }
0x21: {  	s3 =	sadd.s32 s3, s9;
	s6 =	sadd.s32 @!p0 $0x88, s6;
	s7 =	simm.s32 @p2 $0x1082  }
0x22: {  	[simem:s7], [sflag:s8] =	dma.local @!p0 [hbm:s6], $0xF7A  }
0x23: {  	s9 =	sor.u32 $0xD0000000, s2;
	s6 =	simm.s32 $0x108;
	_ =	swait.ge @!p0 [sflag:s8], $0x0  }
0x24: {  	s3 =	sadd.s32 $0x88, s3;
	s6 =	simm.s32 @!p1 $0x1082;
	[sflag:s4] =	ssyncset.s32 $0xFFFFF086  }
0x25: {  	[simem:s6], [sflag:s4] =	dma.local [hbm:s3], $0xF7A  }
0x26: {  	[smem:$0x3F9F] =	sst s1;
	(tag) =	ssettag s2;
	_ =	strace s9  }
0x27: {  	s1 =	sld [smem:$0x3FAF]  }
0x28: {  	s2 =	sld [smem:$0x3FB0]  }
0x29: {  	s4 =	sld [smem:$0x3FB2]  }
0x2a: {  	p0 =	seq.s32 s5, $0x0;
	s5 =	sld [smem:$0x3FB3]  }
0x2b: {  	s6 =	sld [smem:$0x3FB4]  }
0x2c: {  	s7 =	sld [smem:$0x3FB5]  }
0x2d: {  	s3 =	simm.s32 $0x108;
	s8 =	sld [smem:$0x3FB6]  }
0x2e: {  	s3 =	simm.s32 @!p0 $0x1082;
	s9 =	sld [smem:$0x3FB7]  }
0x2f: {  	lr =	sadd.s32 s0, s3;
	s0 =	sld [smem:$0x3FAE]  }
0x30: {  	s3 =	sld [smem:$0x3FB1]  }
0x31: {  	[smem:$0x3FBA] =	sst s10  }
0x32: {  	s10 =	sld [smem:$0x3FB8];
	_ =	sdelay $0x3  }
0x33: {  	p0 =	seq.s32 s10, $0x1;
	s10 =	sld [smem:$0x3FBA];
	_ =	sdelay $0x3  }
0x34: {  	[smem:$0x3FBA] =	sst s10  }
0x35: {  	s10 =	sld [smem:$0x3FB9];
	_ =	sdelay $0x3  }
0x36: {  	p1 =	seq.s32 s10, $0x1;
	s10 =	sld [smem:$0x3FBA];
	_ =	sdelay $0x3  }
0x37: {  	[smem:$0x3FBA] =	sst s10  }
0x38: {  	s10 =	sld [smem:$0x3FBB]  }
0x39: {  	_ = 	snop;
	(pc) =	sbr.ind lr, $3  }
0x3a: {  	_ = 	snop  }
0x3b: {  	_ = 	snop  }
0x3c: {  	p2 =	seq.s32 s10, $0x1;
	s10 =	sld [smem:$0x3FBA]  }
0x3d: {  	_ =	shalt  }
0x3e: {  	_ =	shalt  }
0x3f: {  	_ =	shalt  }
0x40: {  	_ =	shalt  }
0x41: {  	_ =	shalt  }
0x42: {  	_ =	shalt  }
0x43: {  	_ =	shalt  }
0x44: {  	_ =	shalt  }
0x45: {  	_ =	shalt  }
0x46: {  	_ =	shalt  }
0x47: {  	_ =	shalt  }
0x48: {  	_ =	shalt  }
0x49: {  	_ =	shalt  }
0x4a: {  	_ =	shalt  }
0x4b: {  	_ =	shalt  }
0x4c: {  	_ =	shalt  }
0x4d: {  	_ =	shalt  }
0x4e: {  	_ =	shalt  }
0x4f: {  	_ =	shalt  }
0x50: {  	_ =	shalt  }
0x51: {  	_ =	shalt  }
0x52: {  	_ =	shalt  }
0x53: {  	_ =	shalt  }
0x54: {  	_ =	shalt  }
0x55: {  	_ =	shalt  }
0x56: {  	_ =	shalt  }
0x57: {  	_ =	shalt  }
0x58: {  	_ =	shalt  }
0x59: {  	_ =	shalt  }
0x5a: {  	_ =	shalt  }
0x5b: {  	_ =	shalt  }
0x5c: {  	_ =	shalt  }
0x5d: {  	_ =	shalt  }
0x5e: {  	_ =	shalt  }
0x5f: {  	_ =	shalt  }
0x60: {  	_ =	shalt  }
0x61: {  	_ =	shalt  }
0x62: {  	_ =	shalt  }
0x63: {  	_ =	shalt  }
0x64: {  	_ =	shalt  }
0x65: {  	_ =	shalt  }
0x66: {  	_ =	shalt  }
0x67: {  	_ =	shalt  }
0x68: {  	_ =	shalt  }
0x69: {  	_ =	shalt  }
0x6a: {  	_ =	shalt  }
0x6b: {  	_ =	shalt  }
0x6c: {  	_ =	shalt  }
0x6d: {  	_ =	shalt  }
0x6e: {  	_ =	shalt  }
0x6f: {  	_ =	shalt  }
0x70: {  	_ =	shalt  }
0x71: {  	_ =	shalt  }
0x72: {  	_ =	shalt  }
0x73: {  	_ =	shalt  }
0x74: {  	_ =	shalt  }
0x75: {  	_ =	shalt  }
0x76: {  	_ =	shalt  }
0x77: {  	_ =	shalt  }
0x78: {  	_ =	shalt  }
0x79: {  	_ =	shalt  }
0x7a: {  	_ =	shalt  }
0x7b: {  	_ =	shalt  }
0x7c: {  	_ =	shalt  }
0x7d: {  	_ =	shalt  }
0x7e: {  	_ =	shalt  }
0x7f: {  	_ =	shalt  }
0x80: {  	_ =	shalt  }
0x81: {  	_ =	shalt  }
0x82: {  	_ =	shalt  }
0x83: {  	_ =	shalt  }
0x84: {  	_ =	shalt  }
0x85: {  	_ =	shalt  }
0x86: {  	_ =	shalt  }
0x87: {  	_ =	shalt  }
.Lfunc_end0:
.L_simem_size_0:
called_computation_lowered:
.L_overlay_start_0:
0x88: {  	s2 =	sld [smem:$0x3FD9]  }
0x89: {  	s3 =	sld [smem:$0x3FFE];
	_ =	sdelay $0x1  }
0x8a: {  	s1 =	srdreg.scid  }
0x8b: {  	s0 =	sand.u32 $0x1, s1  }
0x8c: {  	s18 =	sshll.u32 s0, $0xA;
	s2 =	sadd.s32 s3, s2  }
0x8d: {  	s2 =	sadd.s32 s2, s18  }
0x8e: {  	[smem:$0x3FC6] =	sst s2  }
0x8f: {  	_ = 	snop  }
0x90: {  	s2 =	sld [smem:$0x3FC9]  }
0x91: {  	s19 =	sld [smem:$0x3FC8]  }
0x92: {  	s4 =	sld [smem:$0x3FD0];
	(tm) =	ssettm $0x1  }
0x93: {  	s5 =	sld [smem:$0x3FFB];
	_ =	sdelay $0x3  }
0x94: {  	_ =	strace s5  }
0x95: {  	s5 =	sld [smem:$0x3FFC];
	_ =	sdelay $0x3  }
0x96: {  	_ =	strace s5  }
0x97: {  	s5 =	sld [smem:$0x3FFD];
	_ =	sdelay $0x3  }
0x98: {  	_ =	strace s5  }
0x99: {  	_ =	strace $0x8FFFFFFF  }
0x9a: {  	s20 =	sld [smem:$0x3FDB];
	_ =	sdelay $0x1  }
0x9b: {  	s6 =	simm.s32 $_scs_section_size  }
0x9c: {  	s7 =	simm.s32 $_size__tile_overlayer_lowered;
	s8 =	simm.s32 $_tile_overlayer_lowered  }
0x9d: {  	s23 =	simm.s32 $0x1BFF;
	s22 =	sshll.u32 s8, $0x1;
	s5 =	sadd.s32 s6, s20  }
0x9e: {  	s9 =	simm.s32 $0x0;
	s21 =	sshll.u32 s7, $0x1;
	s7 =	sadd.s32 s22, s5  }
0x9f: {  	[timem:s9], [sflag:s23] =	dma.local [hbm:s7], s21  }
0xa0: {  	_ =	swait.ge [sflag:s23], s21  }
0xa1: {  	s6 =	ssub.s32 $0x0, s21;
	[sflag:s23] =	ssyncset.done $0x0  }
0xa2: {  	[sflag:s23] =	ssyncadd.s32 s6;
	_ =	sdelay $0x1  }
0xa3: {  	s24 =	simm.s32 $0x1B8B  }
0xa4: {  	_ =	swait.ge [sflag:s24], $0x1  }
0xa5: {  	[sflag:s24] =	ssyncset.done $0x0  }
0xa6: {  	s25 =	simm.s32 $0x1B8E;
	[sflag:s24] =	ssyncadd.s32 $0xFFFFFFFF  }
0xa7: {  	s26 =	simm.s32 $execute0_lowered;
	[smem:$0x3FD2] =	sst s25  }
0xa8: {  	s6 =	sshll.u32 s26, $0x1;
	_ =	strace $0x80000046;
	[dreg:$0x1] =	wrdreg $0xFFFFFFFF  }
0xa9: {  	s28 =	simm.s32 $_size_execute0_lowered;
	s5 =	sadd.s32 s5, s6;
	[dreg:$0x0] =	wrdreg $0x0  }
0xaa: {  	s6 =	sshll.u32 s28, $0x1;
	[dreg:$0x2] =	wrdreg s5  }
0xab: {  	[dreg:$0x3] =	wrdreg s6  }
0xac: {  	[dreg:$0x4] =	wrdreg $0xC0  }
0xad: {  	_ =	task [dreg:s9], $0x5FFFF  }
0xae: {  	[dreg:$0x1] =	wrdreg $0xFFFFFFFF  }
0xaf: {  	[dreg:$0x0] =	wrdreg $0x60  }
0xb0: {  	[dreg:$0x2] =	wrdreg s2  }
0xb1: {  	[dreg:$0x3] =	wrdreg s19  }
0xb2: {  	[dreg:$0x4] =	wrdreg s4  }
0xb3: {  	[dreg:$0x5] =	wrdreg $0x9  }
0xb4: {  	_ =	task.clear_ibuf [dreg:s9], $0x6FFFF;
	_ =	strace $0x90000046  }
0xb5: {  	s29 =	simm.s32 $0x9;
	_ =	strace $0x80000048  }
0xb6: {  	_ =	swait.ge [sflag:s29], $0x1  }
0xb7: {  	[sflag:s29] =	ssyncadd.s32 $0xFFFFFFFF  }
0xb8: {  	_ =	strace $0x90000048  }
0xb9: {  	_ =	sfence  }
0xba: {  	s30 =	sld [smem:$0x0];
	_ =	sdelay $0x2  }
0xbb: {  	s31 =	sshll.u32 s1, $0xD;
	s1 =	sshrl.u32 s1, $0x2  }
0xbc: {  	s3 =	sand.u32 $0x4000, s31;
	s1 =	sadd.s32 s1, s30  }
0xbd: {  	s0 =	sor.u32 s3, s0;
	s1 =	sshll.u32 s1, $0x11  }
0xbe: {  	s0 =	sor.u32 s1, s0  }
0xbf: {  	s0 =	sadd.s32 $0x8F2B, s0  }
0xc0: {  	[sflag:s0] =	ssyncadd.remote.s32 $0x1  }
0xc1: {  	_ =	sfence.sel $0xFFFF  }
0xc2: {  	[dreg:$0x0] =	wrdreg $0xFFFFFFFF;
	(pc) =	sbr.abs _section_cstart, $3  }
0xc3: {  	[dreg:$0x1] =	wrdreg $0xFFFFFFFF  }
0xc4: {  	_ =	task.clear_ibuf [dreg:s9], $0x2FFFF;
	_ =	strace $0x9FFFFFFF  }
0xc5: {  	(tm) =	ssettm $0x7FFFFFFF  }
tec
execute0_lowered:
.L_overlay_start_1:
0x0: {  	(tag) =	ssettag $0x1  }
0x1: {  	s0 =	rddreg [dreg:$0x0]  }
0x2: {  	s1 =	srdreg.scid;
	s2 =	rddreg [dreg:$0x1]  }
0x3: {  	s4 =	stileid.u32;
	s3 =	rddreg [dreg:$0x2];
	s12 =	simm.s32 $0x1  }
0x4: {  	s13 =	simm.s32 $0x38;
	s30 =	simm.s32 $0x3;
	s31 =	simm.s32 $0x2  }
0x5: {  	s10 =	simm.s32 $0x500;
	s14 =	simm.s32 $0x580;
	s15 =	simm.s32 $0x13C00  }
0x6: {  	s16 =	simm.s32 $0x600;
	s17 =	simm.s32 $0x15800;
	s11 =	simm.s32 $0x680  }
0x7: {  	s18 =	simm.s32 $0x17400;
	s19 =	simm.s32 $0x700;
	s20 =	simm.s32 $0x19000  }
0x8: {  	s21 =	simm.s32 $0x780;
	s22 =	simm.s32 $0x1AC00;
	s1 =	sand.u32 $0x1, s1  }
0x9: {  	s23 =	simm.s32 $0x4;
	s4 =	sshll.u32 s4, $0xA;
	s5 =	sshll.u32 s1, $0x9  }
0xa: {  	s1 =	ssub.s32 $0x2, s1;
	s4 =	sor.u32 s5, s4;
	s5 =	simm.s32 $0x0  }
0xb: {  	s7 =	sshrl.u32 s1, $0x1;
	s6 =	sshll.u32 s4, $0x4;
	[smem:$0x7FF] =	sst s5  }
0xc: {  	s28 =	ssub.s32 s1, s7;
	s7 =	simm.s32 $0x0;
	s6 =	sadd.s32 s0, s6  }
0xd: {  	_ =	strace $0x80000047;
	s0 =	smax.u32 s28, $0x1;
	[dreg:$0x4] =	wrdreg s6  }
0xe: {  	s29 =	sadd.s32 $0x80, s6;
	s8 =	sadd.s32 $0x100, s6;
	[dreg:$0x6] =	wrdreg s0  }
0xf: {  	s9 =	sadd.s32 $0x180, s6;
	s6 =	simm.s32 $0x12000;
	[dreg:$0x5] =	wrdreg s29  }
.LBB2_1:
0x10: {  	[dreg:$0x7] =	wrdreg s7  }
0x11: {  	s0 =	rddreg [dreg:$0x4]  }
0x12: {  	[tilespmem:s5], [sflag:$0x1] =	stream.linear.gather [hbm4b:s0+s5], $0x400, $0x38;
	[tilespmem:$0x1C800] =	vst v63  }
0x13: {  	s29 =	rddreg [dreg:$0x5];
	s1 =	simm.s32 $0x400;
	s24 =	simm.s32 $0x0  }
0x14: {  	[tilespmem:s1], [sflag:$0x2] =	stream.linear.gather [hbm4b:s29+s5], $0x400, $0x38;
	[tilespmem:$0x1C800] =	vst v63  }
.LBB2_2:
0x15: {  	_ =	swait.ge [sflag:s12], $0x400  }
0x16: {  	p0 =	seq.s32 s24, $0x0;
	[sflag:s12] =	ssyncset.done $0x0  }
0x17: {  	s0 =	simm.s32 @!p0 $0x5;
	[sflag:s12] =	ssyncadd.s32 $0xFFFFFC00  }
0x18: {  	_ =	swait.ge @!p0 [sflag:s0], $0x7000  }
0x19: {  	[sflag:s0] =	ssyncset.done @!p0 $0x0  }
0x1a: {  	s25 =	simm.s32 $0x800;
	[sflag:s0] =	ssyncadd.s32 @!p0 $0xFFFF9000  }
0x1b: {  	[tilespmem:s25], [sflag:$0x3] =	stream.indirect.gather [hbm4b:s2+s13], $0x80, s5, s13, $0xb8;
	[tilespmem:$0x1C800] =	vst v63  }
0x1c: {  	s26 =	simm.s32 $0x80;
	s1 =	simm.s32 $0x2400  }
0x1d: {  	[tilespmem:s1], [sflag:$0x3] =	stream.indirect.gather [hbm4b:s2+s13], $0x80, s26, s13, $0xb8;
	[tilespmem:$0x1C800] =	vst v63  }
0x1e: {  	s7 =	simm.s32 $0x4000;
	s1 =	simm.s32 $0x100  }
0x1f: {  	[tilespmem:s7], [sflag:$0x3] =	stream.indirect.gather [hbm4b:s2+s13], $0x80, s1, s13, $0xb8;
	[tilespmem:$0x1C800] =	vst v63  }
0x20: {  	s25 =	simm.s32 $0x180;
	s26 =	simm.s32 $0x5C00  }
0x21: {  	[tilespmem:s26], [sflag:$0x3] =	stream.indirect.gather [hbm4b:s2+s13], $0x80, s25, s13, $0xb8;
	[tilespmem:$0x1C800] =	vst v63  }
0x22: {  	s1 =	simm.s32 $0x200;
	s7 =	simm.s32 $0x7800  }
0x23: {  	[tilespmem:s7], [sflag:$0x3] =	stream.indirect.gather [hbm4b:s2+s13], $0x80, s1, s13, $0xb8;
	[tilespmem:$0x1C800] =	vst v63  }
0x24: {  	s25 =	simm.s32 $0x280;
	s26 =	simm.s32 $0x9400  }
0x25: {  	[tilespmem:s26], [sflag:$0x3] =	stream.indirect.gather [hbm4b:s2+s13], $0x80, s25, s13, $0xb8;
	[tilespmem:$0x1C800] =	vst v63  }
0x26: {  	s1 =	simm.s32 $0x300;
	s7 =	simm.s32 $0xB000  }
0x27: {  	[tilespmem:s7], [sflag:$0x3] =	stream.indirect.gather [hbm4b:s2+s13], $0x80, s1, s13, $0xb8;
	[tilespmem:$0x1C800] =	vst v63  }
0x28: {  	s25 =	simm.s32 $0x380;
	s26 =	simm.s32 $0xCC00  }
0x29: {  	[tilespmem:s26], [sflag:$0x3] =	stream.indirect.gather [hbm4b:s2+s13], $0x80, s25, s13, $0xb8;
	[tilespmem:$0x1C800] =	vst v63  }
0x2a: {  	_ =	swait.ge [sflag:s30], $0x1C00  }
0x2b: {  	[sflag:s30] =	ssyncset.done $0x0  }
0x2c: {  	[sflag:s30] =	ssyncadd.s32 $0xFFFFE400  }
0x2d: {  	_ =	swait.ge [sflag:s30], $0x1C00  }
0x2e: {  	[sflag:s30] =	ssyncset.done $0x0  }
0x2f: {  	[sflag:s30] =	ssyncadd.s32 $0xFFFFE400  }
0x30: {  	_ =	swait.ge [sflag:s30], $0x1C00  }
0x31: {  	[sflag:s30] =	ssyncset.done $0x0  }
0x32: {  	[sflag:s30] =	ssyncadd.s32 $0xFFFFE400  }
0x33: {  	_ =	swait.ge [sflag:s30], $0x1C00  }
0x34: {  	[sflag:s30] =	ssyncset.done $0x0  }
0x35: {  	[sflag:s30] =	ssyncadd.s32 $0xFFFFE400  }
0x36: {  	_ =	swait.ge [sflag:s30], $0x1C00  }
0x37: {  	[sflag:s30] =	ssyncset.done $0x0  }
0x38: {  	[sflag:s30] =	ssyncadd.s32 $0xFFFFE400  }
0x39: {  	_ =	swait.ge [sflag:s30], $0x1C00  }
0x3a: {  	[sflag:s30] =	ssyncset.done $0x0  }
0x3b: {  	[sflag:s30] =	ssyncadd.s32 $0xFFFFE400  }
0x3c: {  	_ =	swait.ge [sflag:s30], $0x1C00  }
0x3d: {  	s26 =	sshll.u32 s24, $0x4;
	[sflag:s30] =	ssyncset.done $0x0  }
0x3e: {  	p1 =	seq.s32 s24, $0x1F;
	s0 =	sadd.s32 s4, s26;
	[sflag:s30] =	ssyncadd.s32 $0xFFFFE400  }
0x3f: {  	s29 =	simm.s32 $0x800;
	s0 =	smul.u32 $0x380, s0;
	_ =	swait.ge [sflag:s30], $0x1C00  }
0x40: {  	s7 =	simm.s32 @!p1 $0x0;
	s25 =	sshll.u32 s24, $0x8;
	[sflag:s30] =	ssyncset.done $0x0  }
0x41: {  	s1 =	sadd.s32 @!p1 s25, s8;
	s28 =	sadd.s32 s3, s0;
	[sflag:s30] =	ssyncadd.s32 $0xFFFFE400  }
0x42: {  	[tilespmem:s7], [sflag:$0x1] =	stream.linear.gather @!p1 [hbm4b:s1+s7], $0x400, $0x38;
	[tilespmem:$0x1C800] =	vst v63  }
0x43: {  	s0 =	simm.s32 $0x880;
	s1 =	simm.s32 $0x10;
	s7 =	sadd.s32 $0x0, s28  }
.LBB2_3:
0x44: {  	[hbm4b:s7+s5] =	stream.linear.scatter [tilespmem:s29], [sflag:$0x5], $0x40, $0x38;
	[tilespmem:$0x1C800] =	vst v63  }
0x45: {  	s7 =	smov.u32 s1;
	s29 =	smov.u32 s0;
	p2 =	sne.s32 s1, $0x1BF0  }
.Ltmp0:
0x46: {  	s1 =	sadd.s32 $0x10, s1;
	(pc) =	sbr.rel @p2 .LBB2_3-.Ltmp0, $2  }
0x47: {  	_ =	sdelay $0x2  }
0x48: {  	s0 =	sadd.s32 $0x80, s0;
	s7 =	sadd.s32 s7, s28  }
0x49: {  	[hbm4b:s7+s5] =	stream.linear.scatter [tilespmem:s29], [sflag:$0x5], $0x40, $0x38;
	[tilespmem:$0x1C800] =	vst v63  }
0x4a: {  	_ =	swait.ge [sflag:s31], $0x400  }
0x4b: {  	[sflag:s31] =	ssyncset.done $0x0  }
0x4c: {  	s0 =	simm.s32 @!p0 $0x6;
	[sflag:s31] =	ssyncadd.s32 $0xFFFFFC00  }
0x4d: {  	_ =	swait.ge @!p0 [sflag:s0], $0x7000  }
0x4e: {  	[sflag:s0] =	ssyncset.done @!p0 $0x0  }
0x4f: {  	s29 =	simm.s32 $0x400;
	s1 =	simm.s32 $0xE800;
	[sflag:s0] =	ssyncadd.s32 @!p0 $0xFFFF9000  }
0x50: {  	[tilespmem:s1], [sflag:$0x4] =	stream.indirect.gather [hbm4b:s2+s13], $0x80, s29, s13, $0xb8;
	[tilespmem:$0x1C800] =	vst v63  }
0x51: {  	s7 =	simm.s32 $0x480;
	s28 =	simm.s32 $0x10400  }
0x52: {  	[tilespmem:s28], [sflag:$0x4] =	stream.indirect.gather [hbm4b:s2+s13], $0x80, s7, s13, $0xb8;
	[tilespmem:$0x1C800] =	vst v63  }
0x53: {  	_ = 	snop  }
0x54: {  	[tilespmem:s6], [sflag:$0x4] =	stream.indirect.gather [hbm4b:s2+s13], $0x80, s10, s13, $0xb8;
	[tilespmem:$0x1C800] =	vst v63  }
0x55: {  	_ = 	snop  }
0x56: {  	[tilespmem:s15], [sflag:$0x4] =	stream.indirect.gather [hbm4b:s2+s13], $0x80, s14, s13, $0xb8;
	[tilespmem:$0x1C800] =	vst v63  }
0x57: {  	_ = 	snop  }
0x58: {  	[tilespmem:s17], [sflag:$0x4] =	stream.indirect.gather [hbm4b:s2+s13], $0x80, s16, s13, $0xb8;
	[tilespmem:$0x1C800] =	vst v63  }
0x59: {  	_ = 	snop  }
0x5a: {  	[tilespmem:s18], [sflag:$0x4] =	stream.indirect.gather [hbm4b:s2+s13], $0x80, s11, s13, $0xb8;
	[tilespmem:$0x1C800] =	vst v63  }
0x5b: {  	_ = 	snop  }
0x5c: {  	[tilespmem:s20], [sflag:$0x4] =	stream.indirect.gather [hbm4b:s2+s13], $0x80, s19, s13, $0xb8;
	[tilespmem:$0x1C800] =	vst v63  }
0x5d: {  	_ = 	snop  }
0x5e: {  	[tilespmem:s22], [sflag:$0x4] =	stream.indirect.gather [hbm4b:s2+s13], $0x80, s21, s13, $0xb8;
	[tilespmem:$0x1C800] =	vst v63  }
0x5f: {  	_ =	swait.ge [sflag:s23], $0x1C00  }
0x60: {  	[sflag:s23] =	ssyncset.done $0x0  }
0x61: {  	[sflag:s23] =	ssyncadd.s32 $0xFFFFE400  }
0x62: {  	_ =	swait.ge [sflag:s23], $0x1C00  }
0x63: {  	[sflag:s23] =	ssyncset.done $0x0  }
0x64: {  	[sflag:s23] =	ssyncadd.s32 $0xFFFFE400  }
0x65: {  	_ =	swait.ge [sflag:s23], $0x1C00  }
0x66: {  	[sflag:s23] =	ssyncset.done $0x0  }
0x67: {  	[sflag:s23] =	ssyncadd.s32 $0xFFFFE400  }
0x68: {  	_ =	swait.ge [sflag:s23], $0x1C00  }
0x69: {  	[sflag:s23] =	ssyncset.done $0x0  }
0x6a: {  	[sflag:s23] =	ssyncadd.s32 $0xFFFFE400  }
0x6b: {  	_ =	swait.ge [sflag:s23], $0x1C00  }
0x6c: {  	[sflag:s23] =	ssyncset.done $0x0  }
0x6d: {  	[sflag:s23] =	ssyncadd.s32 $0xFFFFE400  }
0x6e: {  	_ =	swait.ge [sflag:s23], $0x1C00  }
0x6f: {  	[sflag:s23] =	ssyncset.done $0x0  }
0x70: {  	[sflag:s23] =	ssyncadd.s32 $0xFFFFE400  }
0x71: {  	_ =	swait.ge [sflag:s23], $0x1C00  }
0x72: {  	[sflag:s23] =	ssyncset.done $0x0  }
0x73: {  	[sflag:s23] =	ssyncadd.s32 $0xFFFFE400  }
0x74: {  	s29 =	sadd.s32 s26, s4;
	s1 =	sadd.s32 @!p1 s25, s9;
	_ =	swait.ge [sflag:s23], $0x1C00  }
0x75: {  	s25 =	simm.s32 @!p1 $0x400;
	s0 =	sadd.s32 $0x8, s29;
	[sflag:s23] =	ssyncset.done $0x0  }
0x76: {  	s7 =	simm.s32 @!p1 $0x0;
	s0 =	smul.u32 $0x380, s0;
	[sflag:s23] =	ssyncadd.s32 $0xFFFFE400  }
0x77: {  	[tilespmem:s25], [sflag:$0x2] =	stream.linear.gather @!p1 [hbm4b:s1+s7], $0x400, $0x38;
	[tilespmem:$0x1C800] =	vst v63  }
0x78: {  	s26 =	simm.s32 $0xE800;
	s25 =	sadd.s32 s3, s0  }
0x79: {  	s1 =	simm.s32 $0x10;
	s0 =	simm.s32 $0xE880;
	s7 =	sadd.s32 $0x0, s25  }
.LBB2_5:
0x7a: {  	[hbm4b:s7+s5] =	stream.linear.scatter [tilespmem:s26], [sflag:$0x6], $0x40, $0x38;
	[tilespmem:$0x1C800] =	vst v63  }
0x7b: {  	s7 =	smov.u32 s1;
	s26 =	smov.u32 s0;
	p0 =	sne.s32 s1, $0x1BF0  }
.Ltmp1:
0x7c: {  	s1 =	sadd.s32 $0x10, s1;
	(pc) =	sbr.rel @p0 .LBB2_5-.Ltmp1, $2  }
0x7d: {  	_ =	sdelay $0x2  }
0x7e: {  	s0 =	sadd.s32 $0x80, s0;
	s7 =	sadd.s32 s7, s25  }
0x7f: {  	s24 =	sadd.s32 $0x1, s24  }
0x80: {  	p0 =	sne.s32 s24, $0x20  }
.Ltmp2:
0x81: {  	_ = 	snop;
	(pc) =	sbr.rel @p0 .LBB2_2-.Ltmp2, $2  }
0x82: {  	_ =	sdelay $0x2  }
0x83: {  	[hbm4b:s7+s5] =	stream.linear.scatter [tilespmem:s26], [sflag:$0x6], $0x40, $0x38;
	[tilespmem:$0x1C800] =	vst v63  }
0x84: {  	s0 =	simm.s32 $0x5  }
0x85: {  	_ =	swait.ge [sflag:s0], $0x7000  }
0x86: {  	[sflag:s0] =	ssyncset.done $0x0  }
0x87: {  	s1 =	simm.s32 $0x6;
	[sflag:s0] =	ssyncadd.s32 $0xFFFF9000  }
0x88: {  	_ =	swait.ge [sflag:s1], $0x7000  }
0x89: {  	s7 =	rddreg [dreg:$0x7]  }
0x8a: {  	s29 =	rddreg [dreg:$0x6];
	s7 =	sadd.s32 $0x1, s7  }
0x8b: {  	p0 =	sne.s32 s7, s29  }
.Ltmp3:
0x8c: {  	_ = 	snop;
	(pc) =	sbr.rel @p0 .LBB2_1-.Ltmp3, $3  }
0x8d: {  	_ =	sdelay $0x1  }
0x8e: {  	[sflag:s1] =	ssyncset.done $0x0  }
0x8f: {  	[sflag:s1] =	ssyncadd.s32 $0xFFFF9000  }
0x90: {  	_ =	sfence.sel $0x180000  }
0x91: {  	[bflag:$0x0] =	sbarrier.arrive $0xFFFF  }
0x92: {  	_ =	strace $0x90000047  }
0x93: {  	s0 =	stileid.u32;
	[bflag:$0x2] =	sbarrier.arrive $0xFFFF  }
0x94: {  	p0 =	sne.s32 s0, $0x0;
	s0 =	rddreg [dreg:$0x3]  }
0x95: {  	s0 =	sadd.s32 @!p0 $0x100000, s0  }
0x96: {  	[sflag:s0] =	ssyncadd.tile.s32 @!p0 $0x1;
	_ =	shalt  }
.Lfunc_end2:
_tile_overlayer_lowered:
.L_overlay_start_2:
0x97: {  	(tag) =	ssettag $0x2  }
0x98: {  	s0 =	rddreg [dreg:$0x0];
	s2 =	stileid.u32  }
0x99: {  	s1 =	rddreg [dreg:$0x1];
	p0 =	sne.s32 s2, $0x0  }
0x9a: {  	s3 =	rddreg [dreg:$0x2];
	[bflag:$0x3] =	sbarrier.arrive $0xFFFF;
	s2 =	simm.s32 @!p0 $0x1C07  }
0x9b: {  	[timem:s3], [sflag:s2] =	dma.local @!p0 [hbm:s0], s1  }
0x9c: {  	s0 =	simm.s32 @!p0 $0x7  }
0x9d: {  	_ =	swait.ge @!p0 [sflag:s0], s1  }
0x9e: {  	s1 =	ssub.s32 @!p0 $0x0, s1;
	[sflag:s0] =	ssyncset.done @!p0 $0x0  }
0x9f: {  	[sflag:s0] =	ssyncadd.s32 @!p0 s1  }
0xa0: {  	[bflag:$0x3] =	sbarrier.arrive $0xFFFF  }
0xa1: {  	_ =	shalt  }

</sc_bundles>
